<compile_context>
chip_gen: v7x
topology: tpu7x:2x2x1
jax: 0.10.2.dev20260603
libtpu: 0.0.44.dev20260713+nightly
codegen_flags: <defaults>
</compile_context>

<pallas_src>
import functools

import jax
import jax.numpy as jnp
from jax import lax
from jax.experimental import pallas as pl
from jax.experimental.pallas import tpu as pltpu
from jax.experimental.pallas import tpu_sc as plsc

EMB = 32
L = 16
NC = 2
NS = 16
NW = NC * NS
CHUNK = 128


def _sc_body(batch, row_id2, col_id2, row_emb, col_emb, row_bias, col_bias,
             gb16, out_hbm, ridx_v, cidx_v, rrows_v, crows_v, rb_v, cb_v,
             gb_v, out_v, sem):
    bpw = batch // NW
    nchunk = bpw // CHUNK
    wid = lax.axis_index("s") * NC + lax.axis_index("c")
    base = wid * bpw

    pltpu.sync_copy(row_id2.at[pl.ds(wid * nchunk, nchunk)], ridx_v)
    pltpu.sync_copy(col_id2.at[pl.ds(wid * nchunk, nchunk)], cidx_v)
    pltpu.sync_copy(gb16, gb_v)

    copies = []
    for j in range(nchunk):
        s = pl.ds(j * CHUNK, CHUNK)
        copies.append(pltpu.async_copy(row_emb.at[ridx_v.at[j]], rrows_v.at[s], sem))
        copies.append(pltpu.async_copy(col_emb.at[cidx_v.at[j]], crows_v.at[s], sem))
        copies.append(pltpu.async_copy(row_bias.at[ridx_v.at[j]], rb_v.at[s], sem))
        copies.append(pltpu.async_copy(col_bias.at[cidx_v.at[j]], cb_v.at[s], sem))
    for c in copies:
        c.wait()

    gvec = gb_v[...]
    lane = lax.iota(jnp.int32, L)

    def block(i, _):
        b0 = i * L
        idx_b = lane + b0
        acc = rb_v[pl.ds(b0, L)] + cb_v[pl.ds(b0, L)] + gvec
        for e in range(EMB):
            e_idx = jnp.full((L,), e, jnp.int32)
            rv = plsc.load_gather(rrows_v, [idx_b, e_idx])
            cv = plsc.load_gather(crows_v, [idx_b, e_idx])
            acc += rv * cv
        out_v[pl.ds(b0, L)] = acc
        return ()

    lax.fori_loop(0, bpw // L, block, ())

    pltpu.sync_copy(out_v, out_hbm.at[pl.ds(base, bpw)])


@functools.partial(jax.jit, static_argnames=("batch",))
def _mf_sc(row_id2, col_id2, row_emb, col_emb, row_bias, col_bias, gb16,
           *, batch):
    bpw = batch // NW
    mesh = plsc.VectorSubcoreMesh(core_axis_name="c", subcore_axis_name="s")
    return pl.kernel(
        functools.partial(_sc_body, batch),
        out_type=jax.ShapeDtypeStruct((batch,), jnp.float32),
        mesh=mesh,
        scratch_types=[
            pltpu.VMEM((bpw // CHUNK, CHUNK), jnp.int32),
            pltpu.VMEM((bpw // CHUNK, CHUNK), jnp.int32),
            pltpu.VMEM((bpw, EMB), jnp.float32),
            pltpu.VMEM((bpw, EMB), jnp.float32),
            pltpu.VMEM((bpw,), jnp.float32),
            pltpu.VMEM((bpw,), jnp.float32),
            pltpu.VMEM((L,), jnp.float32),
            pltpu.VMEM((bpw,), jnp.float32),
            pltpu.SemaphoreType.DMA,
        ],
        compiler_params=pltpu.CompilerParams(
            needs_layout_passes=False, use_tc_tiling_on_sc=False),
    )(row_id2, col_id2, row_emb, col_emb, row_bias, col_bias, gb16)


def kernel(row_id, col_id, row_emb_table, col_emb_table, row_bias_table,
           col_bias_table, global_bias):
    batch = row_id.shape[0]
    row_id2 = row_id.astype(jnp.int32).reshape(batch // CHUNK, CHUNK)
    col_id2 = col_id.astype(jnp.int32).reshape(batch // CHUNK, CHUNK)
    rb_flat = row_bias_table.reshape(-1)
    cb_flat = col_bias_table.reshape(-1)
    gb16 = jnp.broadcast_to(jnp.reshape(global_bias, (1,)), (L,))
    out = _mf_sc(row_id2, col_id2, row_emb_table, col_emb_table, rb_flat,
                 cb_flat, gb16, batch=batch)
    return out.reshape(batch, 1)

# --- scband reference (transcript-rebuilt; emitter-appended) ---
"""Pipeline reference for scband-matrix-factorisation-10960756540287 (READ-ONLY COPY).

The authoritative reference and input builder live on the scoring server;
editing this copy changes nothing except your own understanding.
"""

import jax, jax.numpy as jnp
import numpy as np

VOCAB = 1000000
EMB = 32
BATCH = 16384

def setup_inputs(seed: int = 0) -> dict:
    key = jax.random.key(seed)
    k1, k2, k3, k4, k5, k6, k7 = jax.random.split(key, 7)
    row_id = jax.random.randint(k1, (BATCH,), 0, VOCAB, dtype=jnp.int64 if jax.config.read('jax_enable_x64') else jnp.int32)
    col_id = jax.random.randint(k2, (BATCH,), 0, VOCAB, dtype=jnp.int64 if jax.config.read('jax_enable_x64') else jnp.int32)
    scale = 1.0 / np.sqrt(EMB)
    row_emb_table = jax.random.normal(k3, (VOCAB, EMB), dtype=jnp.float32) * scale
    col_emb_table = jax.random.normal(k4, (VOCAB, EMB), dtype=jnp.float32) * scale
    row_bias_table = jax.random.normal(k5, (VOCAB, 1), dtype=jnp.float32) * 0.01
    col_bias_table = jax.random.normal(k6, (VOCAB, 1), dtype=jnp.float32) * 0.01
    global_bias = jnp.zeros((), dtype=jnp.float32)
    return {
        'row_id': row_id,
        'col_id': col_id,
        'row_emb_table': row_emb_table,
        'col_emb_table': col_emb_table,
        'row_bias_table': row_bias_table,
        'col_bias_table': col_bias_table,
        'global_bias': global_bias,
    }

def reference(row_id, col_id, row_emb_table, col_emb_table, row_bias_table, col_bias_table, global_bias):
    # Embedding lookups (gather)
    row_embed = jnp.take(row_emb_table, row_id, axis=0)      # [B, EMB]
    col_embed = jnp.take(col_emb_table, col_id, axis=0)      # [B, EMB]
    row_bias = jnp.take(row_bias_table, row_id, axis=0)      # [B, 1]
    col_bias = jnp.take(col_bias_table, col_id, axis=0)      # [B, 1]
    # keras dot(axes=-1) over [B, EMB] x [B, EMB] -> [B, 1]
    embed_product = jnp.sum(row_embed * col_embed, axis=-1, keepdims=True)
    gb = jnp.ones_like(embed_product) * global_bias
    logits = embed_product + row_bias + col_bias + gb
    return logits

if __name__ == "__main__":
    import jax
    _d = setup_inputs()
    print(jax.jit(kernel)(*tuple(_d.values())))

</pallas_src>

<mosaic_0001>
#map = affine_map<(d0, d1) -> (0, 0)>
#map1 = affine_map<(d0, d1) -> (0)>
module attributes {stable_mosaic.version = 14 : i64} {
  func.func @_sc_body(%arg0: i32, %arg1: i32, %arg2: memref<128x128xi32, #tpu.memory_space<hbm>>, %arg3: memref<128x128xi32, #tpu.memory_space<hbm>>, %arg4: memref<1000000x32xf32, #tpu.memory_space<hbm>>, %arg5: memref<1000000x32xf32, #tpu.memory_space<hbm>>, %arg6: memref<1000000xf32, #tpu.memory_space<hbm>>, %arg7: memref<1000000xf32, #tpu.memory_space<hbm>>, %arg8: memref<16xf32, #tpu.memory_space<hbm>>, %arg9: memref<16384xf32, #tpu.memory_space<hbm>>, %arg10: memref<4x128xi32, #tpu.memory_space<vmem>>, %arg11: memref<4x128xi32, #tpu.memory_space<vmem>>, %arg12: memref<512x32xf32, #tpu.memory_space<vmem>>, %arg13: memref<512x32xf32, #tpu.memory_space<vmem>>, %arg14: memref<512xf32, #tpu.memory_space<vmem>>, %arg15: memref<512xf32, #tpu.memory_space<vmem>>, %arg16: memref<16xf32, #tpu.memory_space<vmem>>, %arg17: memref<512xf32, #tpu.memory_space<vmem>>, %arg18: memref<!tpu.dma_semaphore, #tpu.memory_space<semaphore_mem>>) attributes {dimension_semantics = [#tpu.dimension_semantics<core_parallel>, #tpu.dimension_semantics<subcore_parallel>], iteration_bounds = array<i64: 2, 16>, scalar_prefetch = 0 : i64, scratch_operands = 9 : i64, tpu.core_type = #tpu.core_type<sc_vector_subcore>, window_params = [{transform_indices = #map}, {transform_indices = #map}, {transform_indices = #map}, {transform_indices = #map}, {transform_indices = #map1}, {transform_indices = #map1}, {transform_indices = #map1}, {transform_indices = #map1}]} {
    %mul3A = arith.constant 2 : i32
    %mul3A_0 = arith.muli %arg1, %mul3A : i32
    %add3A = arith.addi %mul3A_0, %arg0 : i32
    %mul3A_1 = arith.constant 512 : i32
    %mul3A_2 = arith.muli %add3A, %mul3A_1 : i32
    %mul3A_3 = arith.constant 4 : i32
    %mul3A_4 = arith.muli %add3A, %mul3A_3 : i32
    "tpu.region"() ({
      %run_scoped3A = tpu.sem_alloc : memref<!tpu.dma_semaphore, #tpu.memory_space<semaphore_mem>>
      %dma_start3A_298 = arith.constant 0 : i32
      %dma_start3A_299 = tpu.memref_slice %arg2[%mul3A_4, %dma_start3A_298] : memref<128x128xi32, #tpu.memory_space<hbm>> -> memref<4x128xi32, #tpu.memory_space<hbm>>
      %dma_start3A_300 = arith.constant 0 : i32
      %dma_start3A_301 = tpu.memref_slice %arg2[%mul3A_4, %dma_start3A_300] : memref<128x128xi32, #tpu.memory_space<hbm>> -> memref<4x128xi32, #tpu.memory_space<hbm>>
      tpu.enqueue_dma source(%dma_start3A_301 : memref<4x128xi32, #tpu.memory_space<hbm>>) target(%arg10 : memref<4x128xi32, #tpu.memory_space<vmem>>) target_semaphore(%run_scoped3A : memref<!tpu.dma_semaphore, #tpu.memory_space<semaphore_mem>>)
      %dma_wait3A_302 = arith.constant 0 : i32
      %dma_wait3A_303 = tpu.memref_slice %arg2[%mul3A_4, %dma_wait3A_302] : memref<128x128xi32, #tpu.memory_space<hbm>> -> memref<4x128xi32, #tpu.memory_space<hbm>>
      %dma_wait3A_304 = arith.constant 0 : i32
      %dma_wait3A_305 = tpu.memref_slice %arg2[%mul3A_4, %dma_wait3A_304] : memref<128x128xi32, #tpu.memory_space<hbm>> -> memref<4x128xi32, #tpu.memory_space<hbm>>
      tpu.wait_dma2 semaphore(%run_scoped3A : memref<!tpu.dma_semaphore, #tpu.memory_space<semaphore_mem>>) src(%dma_wait3A_305 : memref<4x128xi32, #tpu.memory_space<hbm>>) dst(%arg10 : memref<4x128xi32, #tpu.memory_space<vmem>>)
      tpu.yield
    }) : () -> ()
    %mul3A_5 = arith.constant 4 : i32
    %mul3A_6 = arith.muli %add3A, %mul3A_5 : i32
    "tpu.region"() ({
      %run_scoped3A = tpu.sem_alloc : memref<!tpu.dma_semaphore, #tpu.memory_space<semaphore_mem>>
      %dma_start3A_298 = arith.constant 0 : i32
      %dma_start3A_299 = tpu.memref_slice %arg3[%mul3A_6, %dma_start3A_298] : memref<128x128xi32, #tpu.memory_space<hbm>> -> memref<4x128xi32, #tpu.memory_space<hbm>>
      %dma_start3A_300 = arith.constant 0 : i32
      %dma_start3A_301 = tpu.memref_slice %arg3[%mul3A_6, %dma_start3A_300] : memref<128x128xi32, #tpu.memory_space<hbm>> -> memref<4x128xi32, #tpu.memory_space<hbm>>
      tpu.enqueue_dma source(%dma_start3A_301 : memref<4x128xi32, #tpu.memory_space<hbm>>) target(%arg11 : memref<4x128xi32, #tpu.memory_space<vmem>>) target_semaphore(%run_scoped3A : memref<!tpu.dma_semaphore, #tpu.memory_space<semaphore_mem>>)
      %dma_wait3A_302 = arith.constant 0 : i32
      %dma_wait3A_303 = tpu.memref_slice %arg3[%mul3A_6, %dma_wait3A_302] : memref<128x128xi32, #tpu.memory_space<hbm>> -> memref<4x128xi32, #tpu.memory_space<hbm>>
      %dma_wait3A_304 = arith.constant 0 : i32
      %dma_wait3A_305 = tpu.memref_slice %arg3[%mul3A_6, %dma_wait3A_304] : memref<128x128xi32, #tpu.memory_space<hbm>> -> memref<4x128xi32, #tpu.memory_space<hbm>>
      tpu.wait_dma2 semaphore(%run_scoped3A : memref<!tpu.dma_semaphore, #tpu.memory_space<semaphore_mem>>) src(%dma_wait3A_305 : memref<4x128xi32, #tpu.memory_space<hbm>>) dst(%arg11 : memref<4x128xi32, #tpu.memory_space<vmem>>)
      tpu.yield
    }) : () -> ()
    "tpu.region"() ({
      %run_scoped3A = tpu.sem_alloc : memref<!tpu.dma_semaphore, #tpu.memory_space<semaphore_mem>>
      tpu.enqueue_dma source(%arg8 : memref<16xf32, #tpu.memory_space<hbm>>) target(%arg16 : memref<16xf32, #tpu.memory_space<vmem>>) target_semaphore(%run_scoped3A : memref<!tpu.dma_semaphore, #tpu.memory_space<semaphore_mem>>)
      tpu.wait_dma2 semaphore(%run_scoped3A : memref<!tpu.dma_semaphore, #tpu.memory_space<semaphore_mem>>) src(%arg8 : memref<16xf32, #tpu.memory_space<hbm>>) dst(%arg16 : memref<16xf32, #tpu.memory_space<vmem>>)
      tpu.yield
    }) : () -> ()
    %dma_start3A = arith.constant 0 : i32
    %dma_start3A_7 = arith.constant 0 : i32
    %dma_start3A_8 = arith.constant 0 : i32
    %dma_start3A_9 = tpu.memref_slice %arg12[%dma_start3A_7, %dma_start3A_8] : memref<512x32xf32, #tpu.memory_space<vmem>> -> memref<128x32xf32, #tpu.memory_space<vmem>>
    %dma_start3A_10 = arith.constant 0 : i32
    %dma_start3A_11 = tpu.memref_slice %arg10[%dma_start3A, %dma_start3A_10] : memref<4x128xi32, #tpu.memory_space<vmem>> -> memref<1x128xi32, #tpu.memory_space<vmem>>
    %dma_start3A_12 = tpu.memref_squeeze %dma_start3A_11 : memref<1x128xi32, #tpu.memory_space<vmem>> -> memref<128xi32, #tpu.memory_space<vmem>>
    %dma_start3A_13 = arith.constant 0 : i32
    %dma_start3A_14 = arith.constant 0 : i32
    %dma_start3A_15 = tpu.memref_slice %arg4[%dma_start3A_13, %dma_start3A_14] : memref<1000000x32xf32, #tpu.memory_space<hbm>> -> memref<1000000x32xf32, #tpu.memory_space<hbm>>
    tpu.enqueue_indirect_dma source(%dma_start3A_15 : memref<1000000x32xf32, #tpu.memory_space<hbm>>) target(%dma_start3A_9 : memref<128x32xf32, #tpu.memory_space<vmem>>) offsets(%dma_start3A_12 : memref<128xi32, #tpu.memory_space<vmem>>) semaphore(%arg18 : memref<!tpu.dma_semaphore, #tpu.memory_space<semaphore_mem>>)
    %dma_start3A_16 = arith.constant 0 : i32
    %dma_start3A_17 = arith.constant 0 : i32
    %dma_start3A_18 = arith.constant 0 : i32
    %dma_start3A_19 = tpu.memref_slice %arg13[%dma_start3A_17, %dma_start3A_18] : memref<512x32xf32, #tpu.memory_space<vmem>> -> memref<128x32xf32, #tpu.memory_space<vmem>>
    %dma_start3A_20 = arith.constant 0 : i32
    %dma_start3A_21 = tpu.memref_slice %arg11[%dma_start3A_16, %dma_start3A_20] : memref<4x128xi32, #tpu.memory_space<vmem>> -> memref<1x128xi32, #tpu.memory_space<vmem>>
    %dma_start3A_22 = tpu.memref_squeeze %dma_start3A_21 : memref<1x128xi32, #tpu.memory_space<vmem>> -> memref<128xi32, #tpu.memory_space<vmem>>
    %dma_start3A_23 = arith.constant 0 : i32
    %dma_start3A_24 = arith.constant 0 : i32
    %dma_start3A_25 = tpu.memref_slice %arg5[%dma_start3A_23, %dma_start3A_24] : memref<1000000x32xf32, #tpu.memory_space<hbm>> -> memref<1000000x32xf32, #tpu.memory_space<hbm>>
    tpu.enqueue_indirect_dma source(%dma_start3A_25 : memref<1000000x32xf32, #tpu.memory_space<hbm>>) target(%dma_start3A_19 : memref<128x32xf32, #tpu.memory_space<vmem>>) offsets(%dma_start3A_22 : memref<128xi32, #tpu.memory_space<vmem>>) semaphore(%arg18 : memref<!tpu.dma_semaphore, #tpu.memory_space<semaphore_mem>>)
    %dma_start3A_26 = arith.constant 0 : i32
    %dma_start3A_27 = arith.constant 0 : i32
    %dma_start3A_28 = tpu.memref_slice %arg14[%dma_start3A_27] : memref<512xf32, #tpu.memory_space<vmem>> -> memref<128xf32, #tpu.memory_space<vmem>>
    %dma_start3A_29 = arith.constant 0 : i32
    %dma_start3A_30 = tpu.memref_slice %arg10[%dma_start3A_26, %dma_start3A_29] : memref<4x128xi32, #tpu.memory_space<vmem>> -> memref<1x128xi32, #tpu.memory_space<vmem>>
    %dma_start3A_31 = tpu.memref_squeeze %dma_start3A_30 : memref<1x128xi32, #tpu.memory_space<vmem>> -> memref<128xi32, #tpu.memory_space<vmem>>
    %dma_start3A_32 = arith.constant 0 : i32
    %dma_start3A_33 = tpu.memref_slice %arg6[%dma_start3A_32] : memref<1000000xf32, #tpu.memory_space<hbm>> -> memref<1000000xf32, #tpu.memory_space<hbm>>
    tpu.enqueue_indirect_dma source(%dma_start3A_33 : memref<1000000xf32, #tpu.memory_space<hbm>>) target(%dma_start3A_28 : memref<128xf32, #tpu.memory_space<vmem>>) offsets(%dma_start3A_31 : memref<128xi32, #tpu.memory_space<vmem>>) semaphore(%arg18 : memref<!tpu.dma_semaphore, #tpu.memory_space<semaphore_mem>>)
    %dma_start3A_34 = arith.constant 0 : i32
    %dma_start3A_35 = arith.constant 0 : i32
    %dma_start3A_36 = tpu.memref_slice %arg15[%dma_start3A_35] : memref<512xf32, #tpu.memory_space<vmem>> -> memref<128xf32, #tpu.memory_space<vmem>>
    %dma_start3A_37 = arith.constant 0 : i32
    %dma_start3A_38 = tpu.memref_slice %arg11[%dma_start3A_34, %dma_start3A_37] : memref<4x128xi32, #tpu.memory_space<vmem>> -> memref<1x128xi32, #tpu.memory_space<vmem>>
    %dma_start3A_39 = tpu.memref_squeeze %dma_start3A_38 : memref<1x128xi32, #tpu.memory_space<vmem>> -> memref<128xi32, #tpu.memory_space<vmem>>
    %dma_start3A_40 = arith.constant 0 : i32
    %dma_start3A_41 = tpu.memref_slice %arg7[%dma_start3A_40] : memref<1000000xf32, #tpu.memory_space<hbm>> -> memref<1000000xf32, #tpu.memory_space<hbm>>
    tpu.enqueue_indirect_dma source(%dma_start3A_41 : memref<1000000xf32, #tpu.memory_space<hbm>>) target(%dma_start3A_36 : memref<128xf32, #tpu.memory_space<vmem>>) offsets(%dma_start3A_39 : memref<128xi32, #tpu.memory_space<vmem>>) semaphore(%arg18 : memref<!tpu.dma_semaphore, #tpu.memory_space<semaphore_mem>>)
    %dma_start3A_42 = arith.constant 1 : i32
    %dma_start3A_43 = arith.constant 128 : i32
    %dma_start3A_44 = arith.constant 0 : i32
    %dma_start3A_45 = tpu.memref_slice %arg12[%dma_start3A_43, %dma_start3A_44] : memref<512x32xf32, #tpu.memory_space<vmem>> -> memref<128x32xf32, #tpu.memory_space<vmem>>
    %dma_start3A_46 = arith.constant 0 : i32
    %dma_start3A_47 = tpu.memref_slice %arg10[%dma_start3A_42, %dma_start3A_46] : memref<4x128xi32, #tpu.memory_space<vmem>> -> memref<1x128xi32, #tpu.memory_space<vmem>>
    %dma_start3A_48 = tpu.memref_squeeze %dma_start3A_47 : memref<1x128xi32, #tpu.memory_space<vmem>> -> memref<128xi32, #tpu.memory_space<vmem>>
    %dma_start3A_49 = arith.constant 0 : i32
    %dma_start3A_50 = arith.constant 0 : i32
    %dma_start3A_51 = tpu.memref_slice %arg4[%dma_start3A_49, %dma_start3A_50] : memref<1000000x32xf32, #tpu.memory_space<hbm>> -> memref<1000000x32xf32, #tpu.memory_space<hbm>>
    tpu.enqueue_indirect_dma source(%dma_start3A_51 : memref<1000000x32xf32, #tpu.memory_space<hbm>>) target(%dma_start3A_45 : memref<128x32xf32, #tpu.memory_space<vmem>>) offsets(%dma_start3A_48 : memref<128xi32, #tpu.memory_space<vmem>>) semaphore(%arg18 : memref<!tpu.dma_semaphore, #tpu.memory_space<semaphore_mem>>)
    %dma_start3A_52 = arith.constant 1 : i32
    %dma_start3A_53 = arith.constant 128 : i32
    %dma_start3A_54 = arith.constant 0 : i32
    %dma_start3A_55 = tpu.memref_slice %arg13[%dma_start3A_53, %dma_start3A_54] : memref<512x32xf32, #tpu.memory_space<vmem>> -> memref<128x32xf32, #tpu.memory_space<vmem>>
    %dma_start3A_56 = arith.constant 0 : i32
    %dma_start3A_57 = tpu.memref_slice %arg11[%dma_start3A_52, %dma_start3A_56] : memref<4x128xi32, #tpu.memory_space<vmem>> -> memref<1x128xi32, #tpu.memory_space<vmem>>
    %dma_start3A_58 = tpu.memref_squeeze %dma_start3A_57 : memref<1x128xi32, #tpu.memory_space<vmem>> -> memref<128xi32, #tpu.memory_space<vmem>>
    %dma_start3A_59 = arith.constant 0 : i32
    %dma_start3A_60 = arith.constant 0 : i32
    %dma_start3A_61 = tpu.memref_slice %arg5[%dma_start3A_59, %dma_start3A_60] : memref<1000000x32xf32, #tpu.memory_space<hbm>> -> memref<1000000x32xf32, #tpu.memory_space<hbm>>
    tpu.enqueue_indirect_dma source(%dma_start3A_61 : memref<1000000x32xf32, #tpu.memory_space<hbm>>) target(%dma_start3A_55 : memref<128x32xf32, #tpu.memory_space<vmem>>) offsets(%dma_start3A_58 : memref<128xi32, #tpu.memory_space<vmem>>) semaphore(%arg18 : memref<!tpu.dma_semaphore, #tpu.memory_space<semaphore_mem>>)
    %dma_start3A_62 = arith.constant 1 : i32
    %dma_start3A_63 = arith.constant 128 : i32
    %dma_start3A_64 = tpu.memref_slice %arg14[%dma_start3A_63] : memref<512xf32, #tpu.memory_space<vmem>> -> memref<128xf32, #tpu.memory_space<vmem>>
    %dma_start3A_65 = arith.constant 0 : i32
    %dma_start3A_66 = tpu.memref_slice %arg10[%dma_start3A_62, %dma_start3A_65] : memref<4x128xi32, #tpu.memory_space<vmem>> -> memref<1x128xi32, #tpu.memory_space<vmem>>
    %dma_start3A_67 = tpu.memref_squeeze %dma_start3A_66 : memref<1x128xi32, #tpu.memory_space<vmem>> -> memref<128xi32, #tpu.memory_space<vmem>>
    %dma_start3A_68 = arith.constant 0 : i32
    %dma_start3A_69 = tpu.memref_slice %arg6[%dma_start3A_68] : memref<1000000xf32, #tpu.memory_space<hbm>> -> memref<1000000xf32, #tpu.memory_space<hbm>>
    tpu.enqueue_indirect_dma source(%dma_start3A_69 : memref<1000000xf32, #tpu.memory_space<hbm>>) target(%dma_start3A_64 : memref<128xf32, #tpu.memory_space<vmem>>) offsets(%dma_start3A_67 : memref<128xi32, #tpu.memory_space<vmem>>) semaphore(%arg18 : memref<!tpu.dma_semaphore, #tpu.memory_space<semaphore_mem>>)
    %dma_start3A_70 = arith.constant 1 : i32
    %dma_start3A_71 = arith.constant 128 : i32
    %dma_start3A_72 = tpu.memref_slice %arg15[%dma_start3A_71] : memref<512xf32, #tpu.memory_space<vmem>> -> memref<128xf32, #tpu.memory_space<vmem>>
    %dma_start3A_73 = arith.constant 0 : i32
    %dma_start3A_74 = tpu.memref_slice %arg11[%dma_start3A_70, %dma_start3A_73] : memref<4x128xi32, #tpu.memory_space<vmem>> -> memref<1x128xi32, #tpu.memory_space<vmem>>
    %dma_start3A_75 = tpu.memref_squeeze %dma_start3A_74 : memref<1x128xi32, #tpu.memory_space<vmem>> -> memref<128xi32, #tpu.memory_space<vmem>>
    %dma_start3A_76 = arith.constant 0 : i32
    %dma_start3A_77 = tpu.memref_slice %arg7[%dma_start3A_76] : memref<1000000xf32, #tpu.memory_space<hbm>> -> memref<1000000xf32, #tpu.memory_space<hbm>>
    tpu.enqueue_indirect_dma source(%dma_start3A_77 : memref<1000000xf32, #tpu.memory_space<hbm>>) target(%dma_start3A_72 : memref<128xf32, #tpu.memory_space<vmem>>) offsets(%dma_start3A_75 : memref<128xi32, #tpu.memory_space<vmem>>) semaphore(%arg18 : memref<!tpu.dma_semaphore, #tpu.memory_space<semaphore_mem>>)
    %dma_start3A_78 = arith.constant 2 : i32
    %dma_start3A_79 = arith.constant 256 : i32
    %dma_start3A_80 = arith.constant 0 : i32
    %dma_start3A_81 = tpu.memref_slice %arg12[%dma_start3A_79, %dma_start3A_80] : memref<512x32xf32, #tpu.memory_space<vmem>> -> memref<128x32xf32, #tpu.memory_space<vmem>>
    %dma_start3A_82 = arith.constant 0 : i32
    %dma_start3A_83 = tpu.memref_slice %arg10[%dma_start3A_78, %dma_start3A_82] : memref<4x128xi32, #tpu.memory_space<vmem>> -> memref<1x128xi32, #tpu.memory_space<vmem>>
    %dma_start3A_84 = tpu.memref_squeeze %dma_start3A_83 : memref<1x128xi32, #tpu.memory_space<vmem>> -> memref<128xi32, #tpu.memory_space<vmem>>
    %dma_start3A_85 = arith.constant 0 : i32
    %dma_start3A_86 = arith.constant 0 : i32
    %dma_start3A_87 = tpu.memref_slice %arg4[%dma_start3A_85, %dma_start3A_86] : memref<1000000x32xf32, #tpu.memory_space<hbm>> -> memref<1000000x32xf32, #tpu.memory_space<hbm>>
    tpu.enqueue_indirect_dma source(%dma_start3A_87 : memref<1000000x32xf32, #tpu.memory_space<hbm>>) target(%dma_start3A_81 : memref<128x32xf32, #tpu.memory_space<vmem>>) offsets(%dma_start3A_84 : memref<128xi32, #tpu.memory_space<vmem>>) semaphore(%arg18 : memref<!tpu.dma_semaphore, #tpu.memory_space<semaphore_mem>>)
    %dma_start3A_88 = arith.constant 2 : i32
    %dma_start3A_89 = arith.constant 256 : i32
    %dma_start3A_90 = arith.constant 0 : i32
    %dma_start3A_91 = tpu.memref_slice %arg13[%dma_start3A_89, %dma_start3A_90] : memref<512x32xf32, #tpu.memory_space<vmem>> -> memref<128x32xf32, #tpu.memory_space<vmem>>
    %dma_start3A_92 = arith.constant 0 : i32
    %dma_start3A_93 = tpu.memref_slice %arg11[%dma_start3A_88, %dma_start3A_92] : memref<4x128xi32, #tpu.memory_space<vmem>> -> memref<1x128xi32, #tpu.memory_space<vmem>>
    %dma_start3A_94 = tpu.memref_squeeze %dma_start3A_93 : memref<1x128xi32, #tpu.memory_space<vmem>> -> memref<128xi32, #tpu.memory_space<vmem>>
    %dma_start3A_95 = arith.constant 0 : i32
    %dma_start3A_96 = arith.constant 0 : i32
    %dma_start3A_97 = tpu.memref_slice %arg5[%dma_start3A_95, %dma_start3A_96] : memref<1000000x32xf32, #tpu.memory_space<hbm>> -> memref<1000000x32xf32, #tpu.memory_space<hbm>>
    tpu.enqueue_indirect_dma source(%dma_start3A_97 : memref<1000000x32xf32, #tpu.memory_space<hbm>>) target(%dma_start3A_91 : memref<128x32xf32, #tpu.memory_space<vmem>>) offsets(%dma_start3A_94 : memref<128xi32, #tpu.memory_space<vmem>>) semaphore(%arg18 : memref<!tpu.dma_semaphore, #tpu.memory_space<semaphore_mem>>)
    %dma_start3A_98 = arith.constant 2 : i32
    %dma_start3A_99 = arith.constant 256 : i32
    %dma_start3A_100 = tpu.memref_slice %arg14[%dma_start3A_99] : memref<512xf32, #tpu.memory_space<vmem>> -> memref<128xf32, #tpu.memory_space<vmem>>
    %dma_start3A_101 = arith.constant 0 : i32
    %dma_start3A_102 = tpu.memref_slice %arg10[%dma_start3A_98, %dma_start3A_101] : memref<4x128xi32, #tpu.memory_space<vmem>> -> memref<1x128xi32, #tpu.memory_space<vmem>>
    %dma_start3A_103 = tpu.memref_squeeze %dma_start3A_102 : memref<1x128xi32, #tpu.memory_space<vmem>> -> memref<128xi32, #tpu.memory_space<vmem>>
    %dma_start3A_104 = arith.constant 0 : i32
    %dma_start3A_105 = tpu.memref_slice %arg6[%dma_start3A_104] : memref<1000000xf32, #tpu.memory_space<hbm>> -> memref<1000000xf32, #tpu.memory_space<hbm>>
    tpu.enqueue_indirect_dma source(%dma_start3A_105 : memref<1000000xf32, #tpu.memory_space<hbm>>) target(%dma_start3A_100 : memref<128xf32, #tpu.memory_space<vmem>>) offsets(%dma_start3A_103 : memref<128xi32, #tpu.memory_space<vmem>>) semaphore(%arg18 : memref<!tpu.dma_semaphore, #tpu.memory_space<semaphore_mem>>)
    %dma_start3A_106 = arith.constant 2 : i32
    %dma_start3A_107 = arith.constant 256 : i32
    %dma_start3A_108 = tpu.memref_slice %arg15[%dma_start3A_107] : memref<512xf32, #tpu.memory_space<vmem>> -> memref<128xf32, #tpu.memory_space<vmem>>
    %dma_start3A_109 = arith.constant 0 : i32
    %dma_start3A_110 = tpu.memref_slice %arg11[%dma_start3A_106, %dma_start3A_109] : memref<4x128xi32, #tpu.memory_space<vmem>> -> memref<1x128xi32, #tpu.memory_space<vmem>>
    %dma_start3A_111 = tpu.memref_squeeze %dma_start3A_110 : memref<1x128xi32, #tpu.memory_space<vmem>> -> memref<128xi32, #tpu.memory_space<vmem>>
    %dma_start3A_112 = arith.constant 0 : i32
    %dma_start3A_113 = tpu.memref_slice %arg7[%dma_start3A_112] : memref<1000000xf32, #tpu.memory_space<hbm>> -> memref<1000000xf32, #tpu.memory_space<hbm>>
    tpu.enqueue_indirect_dma source(%dma_start3A_113 : memref<1000000xf32, #tpu.memory_space<hbm>>) target(%dma_start3A_108 : memref<128xf32, #tpu.memory_space<vmem>>) offsets(%dma_start3A_111 : memref<128xi32, #tpu.memory_space<vmem>>) semaphore(%arg18 : memref<!tpu.dma_semaphore, #tpu.memory_space<semaphore_mem>>)
    %dma_start3A_114 = arith.constant 3 : i32
    %dma_start3A_115 = arith.constant 384 : i32
    %dma_start3A_116 = arith.constant 0 : i32
    %dma_start3A_117 = tpu.memref_slice %arg12[%dma_start3A_115, %dma_start3A_116] : memref<512x32xf32, #tpu.memory_space<vmem>> -> memref<128x32xf32, #tpu.memory_space<vmem>>
    %dma_start3A_118 = arith.constant 0 : i32
    %dma_start3A_119 = tpu.memref_slice %arg10[%dma_start3A_114, %dma_start3A_118] : memref<4x128xi32, #tpu.memory_space<vmem>> -> memref<1x128xi32, #tpu.memory_space<vmem>>
    %dma_start3A_120 = tpu.memref_squeeze %dma_start3A_119 : memref<1x128xi32, #tpu.memory_space<vmem>> -> memref<128xi32, #tpu.memory_space<vmem>>
    %dma_start3A_121 = arith.constant 0 : i32
    %dma_start3A_122 = arith.constant 0 : i32
    %dma_start3A_123 = tpu.memref_slice %arg4[%dma_start3A_121, %dma_start3A_122] : memref<1000000x32xf32, #tpu.memory_space<hbm>> -> memref<1000000x32xf32, #tpu.memory_space<hbm>>
    tpu.enqueue_indirect_dma source(%dma_start3A_123 : memref<1000000x32xf32, #tpu.memory_space<hbm>>) target(%dma_start3A_117 : memref<128x32xf32, #tpu.memory_space<vmem>>) offsets(%dma_start3A_120 : memref<128xi32, #tpu.memory_space<vmem>>) semaphore(%arg18 : memref<!tpu.dma_semaphore, #tpu.memory_space<semaphore_mem>>)
    %dma_start3A_124 = arith.constant 3 : i32
    %dma_start3A_125 = arith.constant 384 : i32
    %dma_start3A_126 = arith.constant 0 : i32
    %dma_start3A_127 = tpu.memref_slice %arg13[%dma_start3A_125, %dma_start3A_126] : memref<512x32xf32, #tpu.memory_space<vmem>> -> memref<128x32xf32, #tpu.memory_space<vmem>>
    %dma_start3A_128 = arith.constant 0 : i32
    %dma_start3A_129 = tpu.memref_slice %arg11[%dma_start3A_124, %dma_start3A_128] : memref<4x128xi32, #tpu.memory_space<vmem>> -> memref<1x128xi32, #tpu.memory_space<vmem>>
    %dma_start3A_130 = tpu.memref_squeeze %dma_start3A_129 : memref<1x128xi32, #tpu.memory_space<vmem>> -> memref<128xi32, #tpu.memory_space<vmem>>
    %dma_start3A_131 = arith.constant 0 : i32
    %dma_start3A_132 = arith.constant 0 : i32
    %dma_start3A_133 = tpu.memref_slice %arg5[%dma_start3A_131, %dma_start3A_132] : memref<1000000x32xf32, #tpu.memory_space<hbm>> -> memref<1000000x32xf32, #tpu.memory_space<hbm>>
    tpu.enqueue_indirect_dma source(%dma_start3A_133 : memref<1000000x32xf32, #tpu.memory_space<hbm>>) target(%dma_start3A_127 : memref<128x32xf32, #tpu.memory_space<vmem>>) offsets(%dma_start3A_130 : memref<128xi32, #tpu.memory_space<vmem>>) semaphore(%arg18 : memref<!tpu.dma_semaphore, #tpu.memory_space<semaphore_mem>>)
    %dma_start3A_134 = arith.constant 3 : i32
    %dma_start3A_135 = arith.constant 384 : i32
    %dma_start3A_136 = tpu.memref_slice %arg14[%dma_start3A_135] : memref<512xf32, #tpu.memory_space<vmem>> -> memref<128xf32, #tpu.memory_space<vmem>>
    %dma_start3A_137 = arith.constant 0 : i32
    %dma_start3A_138 = tpu.memref_slice %arg10[%dma_start3A_134, %dma_start3A_137] : memref<4x128xi32, #tpu.memory_space<vmem>> -> memref<1x128xi32, #tpu.memory_space<vmem>>
    %dma_start3A_139 = tpu.memref_squeeze %dma_start3A_138 : memref<1x128xi32, #tpu.memory_space<vmem>> -> memref<128xi32, #tpu.memory_space<vmem>>
    %dma_start3A_140 = arith.constant 0 : i32
    %dma_start3A_141 = tpu.memref_slice %arg6[%dma_start3A_140] : memref<1000000xf32, #tpu.memory_space<hbm>> -> memref<1000000xf32, #tpu.memory_space<hbm>>
    tpu.enqueue_indirect_dma source(%dma_start3A_141 : memref<1000000xf32, #tpu.memory_space<hbm>>) target(%dma_start3A_136 : memref<128xf32, #tpu.memory_space<vmem>>) offsets(%dma_start3A_139 : memref<128xi32, #tpu.memory_space<vmem>>) semaphore(%arg18 : memref<!tpu.dma_semaphore, #tpu.memory_space<semaphore_mem>>)
    %dma_start3A_142 = arith.constant 3 : i32
    %dma_start3A_143 = arith.constant 384 : i32
    %dma_start3A_144 = tpu.memref_slice %arg15[%dma_start3A_143] : memref<512xf32, #tpu.memory_space<vmem>> -> memref<128xf32, #tpu.memory_space<vmem>>
    %dma_start3A_145 = arith.constant 0 : i32
    %dma_start3A_146 = tpu.memref_slice %arg11[%dma_start3A_142, %dma_start3A_145] : memref<4x128xi32, #tpu.memory_space<vmem>> -> memref<1x128xi32, #tpu.memory_space<vmem>>
    %dma_start3A_147 = tpu.memref_squeeze %dma_start3A_146 : memref<1x128xi32, #tpu.memory_space<vmem>> -> memref<128xi32, #tpu.memory_space<vmem>>
    %dma_start3A_148 = arith.constant 0 : i32
    %dma_start3A_149 = tpu.memref_slice %arg7[%dma_start3A_148] : memref<1000000xf32, #tpu.memory_space<hbm>> -> memref<1000000xf32, #tpu.memory_space<hbm>>
    tpu.enqueue_indirect_dma source(%dma_start3A_149 : memref<1000000xf32, #tpu.memory_space<hbm>>) target(%dma_start3A_144 : memref<128xf32, #tpu.memory_space<vmem>>) offsets(%dma_start3A_147 : memref<128xi32, #tpu.memory_space<vmem>>) semaphore(%arg18 : memref<!tpu.dma_semaphore, #tpu.memory_space<semaphore_mem>>)
    %dma_wait3A = arith.constant 0 : i32
    %dma_wait3A_150 = arith.constant 0 : i32
    %dma_wait3A_151 = arith.constant 0 : i32
    %dma_wait3A_152 = tpu.memref_slice %arg12[%dma_wait3A_150, %dma_wait3A_151] : memref<512x32xf32, #tpu.memory_space<vmem>> -> memref<128x32xf32, #tpu.memory_space<vmem>>
    %dma_wait3A_153 = arith.constant 0 : i32
    %dma_wait3A_154 = tpu.memref_slice %arg10[%dma_wait3A, %dma_wait3A_153] : memref<4x128xi32, #tpu.memory_space<vmem>> -> memref<1x128xi32, #tpu.memory_space<vmem>>
    %dma_wait3A_155 = tpu.memref_squeeze %dma_wait3A_154 : memref<1x128xi32, #tpu.memory_space<vmem>> -> memref<128xi32, #tpu.memory_space<vmem>>
    %dma_wait3A_156 = arith.constant 0 : i32
    %dma_wait3A_157 = arith.constant 0 : i32
    %dma_wait3A_158 = tpu.memref_slice %arg4[%dma_wait3A_156, %dma_wait3A_157] : memref<1000000x32xf32, #tpu.memory_space<hbm>> -> memref<1000000x32xf32, #tpu.memory_space<hbm>>
    tpu.wait_indirect_dma semaphore(%arg18 : memref<!tpu.dma_semaphore, #tpu.memory_space<semaphore_mem>>) src(%dma_wait3A_158 : memref<1000000x32xf32, #tpu.memory_space<hbm>>) dst(%dma_wait3A_152 : memref<128x32xf32, #tpu.memory_space<vmem>>)
    %dma_wait3A_159 = arith.constant 0 : i32
    %dma_wait3A_160 = arith.constant 0 : i32
    %dma_wait3A_161 = arith.constant 0 : i32
    %dma_wait3A_162 = tpu.memref_slice %arg13[%dma_wait3A_160, %dma_wait3A_161] : memref<512x32xf32, #tpu.memory_space<vmem>> -> memref<128x32xf32, #tpu.memory_space<vmem>>
    %dma_wait3A_163 = arith.constant 0 : i32
    %dma_wait3A_164 = tpu.memref_slice %arg11[%dma_wait3A_159, %dma_wait3A_163] : memref<4x128xi32, #tpu.memory_space<vmem>> -> memref<1x128xi32, #tpu.memory_space<vmem>>
    %dma_wait3A_165 = tpu.memref_squeeze %dma_wait3A_164 : memref<1x128xi32, #tpu.memory_space<vmem>> -> memref<128xi32, #tpu.memory_space<vmem>>
    %dma_wait3A_166 = arith.constant 0 : i32
    %dma_wait3A_167 = arith.constant 0 : i32
    %dma_wait3A_168 = tpu.memref_slice %arg5[%dma_wait3A_166, %dma_wait3A_167] : memref<1000000x32xf32, #tpu.memory_space<hbm>> -> memref<1000000x32xf32, #tpu.memory_space<hbm>>
    tpu.wait_indirect_dma semaphore(%arg18 : memref<!tpu.dma_semaphore, #tpu.memory_space<semaphore_mem>>) src(%dma_wait3A_168 : memref<1000000x32xf32, #tpu.memory_space<hbm>>) dst(%dma_wait3A_162 : memref<128x32xf32, #tpu.memory_space<vmem>>)
    %dma_wait3A_169 = arith.constant 0 : i32
    %dma_wait3A_170 = arith.constant 0 : i32
    %dma_wait3A_171 = tpu.memref_slice %arg14[%dma_wait3A_170] : memref<512xf32, #tpu.memory_space<vmem>> -> memref<128xf32, #tpu.memory_space<vmem>>
    %dma_wait3A_172 = arith.constant 0 : i32
    %dma_wait3A_173 = tpu.memref_slice %arg10[%dma_wait3A_169, %dma_wait3A_172] : memref<4x128xi32, #tpu.memory_space<vmem>> -> memref<1x128xi32, #tpu.memory_space<vmem>>
    %dma_wait3A_174 = tpu.memref_squeeze %dma_wait3A_173 : memref<1x128xi32, #tpu.memory_space<vmem>> -> memref<128xi32, #tpu.memory_space<vmem>>
    %dma_wait3A_175 = arith.constant 0 : i32
    %dma_wait3A_176 = tpu.memref_slice %arg6[%dma_wait3A_175] : memref<1000000xf32, #tpu.memory_space<hbm>> -> memref<1000000xf32, #tpu.memory_space<hbm>>
    tpu.wait_indirect_dma semaphore(%arg18 : memref<!tpu.dma_semaphore, #tpu.memory_space<semaphore_mem>>) src(%dma_wait3A_176 : memref<1000000xf32, #tpu.memory_space<hbm>>) dst(%dma_wait3A_171 : memref<128xf32, #tpu.memory_space<vmem>>)
    %dma_wait3A_177 = arith.constant 0 : i32
    %dma_wait3A_178 = arith.constant 0 : i32
    %dma_wait3A_179 = tpu.memref_slice %arg15[%dma_wait3A_178] : memref<512xf32, #tpu.memory_space<vmem>> -> memref<128xf32, #tpu.memory_space<vmem>>
    %dma_wait3A_180 = arith.constant 0 : i32
    %dma_wait3A_181 = tpu.memref_slice %arg11[%dma_wait3A_177, %dma_wait3A_180] : memref<4x128xi32, #tpu.memory_space<vmem>> -> memref<1x128xi32, #tpu.memory_space<vmem>>
    %dma_wait3A_182 = tpu.memref_squeeze %dma_wait3A_181 : memref<1x128xi32, #tpu.memory_space<vmem>> -> memref<128xi32, #tpu.memory_space<vmem>>
    %dma_wait3A_183 = arith.constant 0 : i32
    %dma_wait3A_184 = tpu.memref_slice %arg7[%dma_wait3A_183] : memref<1000000xf32, #tpu.memory_space<hbm>> -> memref<1000000xf32, #tpu.memory_space<hbm>>
    tpu.wait_indirect_dma semaphore(%arg18 : memref<!tpu.dma_semaphore, #tpu.memory_space<semaphore_mem>>) src(%dma_wait3A_184 : memref<1000000xf32, #tpu.memory_space<hbm>>) dst(%dma_wait3A_179 : memref<128xf32, #tpu.memory_space<vmem>>)
    %dma_wait3A_185 = arith.constant 1 : i32
    %dma_wait3A_186 = arith.constant 128 : i32
    %dma_wait3A_187 = arith.constant 0 : i32
    %dma_wait3A_188 = tpu.memref_slice %arg12[%dma_wait3A_186, %dma_wait3A_187] : memref<512x32xf32, #tpu.memory_space<vmem>> -> memref<128x32xf32, #tpu.memory_space<vmem>>
    %dma_wait3A_189 = arith.constant 0 : i32
    %dma_wait3A_190 = tpu.memref_slice %arg10[%dma_wait3A_185, %dma_wait3A_189] : memref<4x128xi32, #tpu.memory_space<vmem>> -> memref<1x128xi32, #tpu.memory_space<vmem>>
    %dma_wait3A_191 = tpu.memref_squeeze %dma_wait3A_190 : memref<1x128xi32, #tpu.memory_space<vmem>> -> memref<128xi32, #tpu.memory_space<vmem>>
    %dma_wait3A_192 = arith.constant 0 : i32
    %dma_wait3A_193 = arith.constant 0 : i32
    %dma_wait3A_194 = tpu.memref_slice %arg4[%dma_wait3A_192, %dma_wait3A_193] : memref<1000000x32xf32, #tpu.memory_space<hbm>> -> memref<1000000x32xf32, #tpu.memory_space<hbm>>
    tpu.wait_indirect_dma semaphore(%arg18 : memref<!tpu.dma_semaphore, #tpu.memory_space<semaphore_mem>>) src(%dma_wait3A_194 : memref<1000000x32xf32, #tpu.memory_space<hbm>>) dst(%dma_wait3A_188 : memref<128x32xf32, #tpu.memory_space<vmem>>)
    %dma_wait3A_195 = arith.constant 1 : i32
    %dma_wait3A_196 = arith.constant 128 : i32
    %dma_wait3A_197 = arith.constant 0 : i32
    %dma_wait3A_198 = tpu.memref_slice %arg13[%dma_wait3A_196, %dma_wait3A_197] : memref<512x32xf32, #tpu.memory_space<vmem>> -> memref<128x32xf32, #tpu.memory_space<vmem>>
    %dma_wait3A_199 = arith.constant 0 : i32
    %dma_wait3A_200 = tpu.memref_slice %arg11[%dma_wait3A_195, %dma_wait3A_199] : memref<4x128xi32, #tpu.memory_space<vmem>> -> memref<1x128xi32, #tpu.memory_space<vmem>>
    %dma_wait3A_201 = tpu.memref_squeeze %dma_wait3A_200 : memref<1x128xi32, #tpu.memory_space<vmem>> -> memref<128xi32, #tpu.memory_space<vmem>>
    %dma_wait3A_202 = arith.constant 0 : i32
    %dma_wait3A_203 = arith.constant 0 : i32
    %dma_wait3A_204 = tpu.memref_slice %arg5[%dma_wait3A_202, %dma_wait3A_203] : memref<1000000x32xf32, #tpu.memory_space<hbm>> -> memref<1000000x32xf32, #tpu.memory_space<hbm>>
    tpu.wait_indirect_dma semaphore(%arg18 : memref<!tpu.dma_semaphore, #tpu.memory_space<semaphore_mem>>) src(%dma_wait3A_204 : memref<1000000x32xf32, #tpu.memory_space<hbm>>) dst(%dma_wait3A_198 : memref<128x32xf32, #tpu.memory_space<vmem>>)
    %dma_wait3A_205 = arith.constant 1 : i32
    %dma_wait3A_206 = arith.constant 128 : i32
    %dma_wait3A_207 = tpu.memref_slice %arg14[%dma_wait3A_206] : memref<512xf32, #tpu.memory_space<vmem>> -> memref<128xf32, #tpu.memory_space<vmem>>
    %dma_wait3A_208 = arith.constant 0 : i32
    %dma_wait3A_209 = tpu.memref_slice %arg10[%dma_wait3A_205, %dma_wait3A_208] : memref<4x128xi32, #tpu.memory_space<vmem>> -> memref<1x128xi32, #tpu.memory_space<vmem>>
    %dma_wait3A_210 = tpu.memref_squeeze %dma_wait3A_209 : memref<1x128xi32, #tpu.memory_space<vmem>> -> memref<128xi32, #tpu.memory_space<vmem>>
    %dma_wait3A_211 = arith.constant 0 : i32
    %dma_wait3A_212 = tpu.memref_slice %arg6[%dma_wait3A_211] : memref<1000000xf32, #tpu.memory_space<hbm>> -> memref<1000000xf32, #tpu.memory_space<hbm>>
    tpu.wait_indirect_dma semaphore(%arg18 : memref<!tpu.dma_semaphore, #tpu.memory_space<semaphore_mem>>) src(%dma_wait3A_212 : memref<1000000xf32, #tpu.memory_space<hbm>>) dst(%dma_wait3A_207 : memref<128xf32, #tpu.memory_space<vmem>>)
    %dma_wait3A_213 = arith.constant 1 : i32
    %dma_wait3A_214 = arith.constant 128 : i32
    %dma_wait3A_215 = tpu.memref_slice %arg15[%dma_wait3A_214] : memref<512xf32, #tpu.memory_space<vmem>> -> memref<128xf32, #tpu.memory_space<vmem>>
    %dma_wait3A_216 = arith.constant 0 : i32
    %dma_wait3A_217 = tpu.memref_slice %arg11[%dma_wait3A_213, %dma_wait3A_216] : memref<4x128xi32, #tpu.memory_space<vmem>> -> memref<1x128xi32, #tpu.memory_space<vmem>>
    %dma_wait3A_218 = tpu.memref_squeeze %dma_wait3A_217 : memref<1x128xi32, #tpu.memory_space<vmem>> -> memref<128xi32, #tpu.memory_space<vmem>>
    %dma_wait3A_219 = arith.constant 0 : i32
    %dma_wait3A_220 = tpu.memref_slice %arg7[%dma_wait3A_219] : memref<1000000xf32, #tpu.memory_space<hbm>> -> memref<1000000xf32, #tpu.memory_space<hbm>>
    tpu.wait_indirect_dma semaphore(%arg18 : memref<!tpu.dma_semaphore, #tpu.memory_space<semaphore_mem>>) src(%dma_wait3A_220 : memref<1000000xf32, #tpu.memory_space<hbm>>) dst(%dma_wait3A_215 : memref<128xf32, #tpu.memory_space<vmem>>)
    %dma_wait3A_221 = arith.constant 2 : i32
    %dma_wait3A_222 = arith.constant 256 : i32
    %dma_wait3A_223 = arith.constant 0 : i32
    %dma_wait3A_224 = tpu.memref_slice %arg12[%dma_wait3A_222, %dma_wait3A_223] : memref<512x32xf32, #tpu.memory_space<vmem>> -> memref<128x32xf32, #tpu.memory_space<vmem>>
    %dma_wait3A_225 = arith.constant 0 : i32
    %dma_wait3A_226 = tpu.memref_slice %arg10[%dma_wait3A_221, %dma_wait3A_225] : memref<4x128xi32, #tpu.memory_space<vmem>> -> memref<1x128xi32, #tpu.memory_space<vmem>>
    %dma_wait3A_227 = tpu.memref_squeeze %dma_wait3A_226 : memref<1x128xi32, #tpu.memory_space<vmem>> -> memref<128xi32, #tpu.memory_space<vmem>>
    %dma_wait3A_228 = arith.constant 0 : i32
    %dma_wait3A_229 = arith.constant 0 : i32
    %dma_wait3A_230 = tpu.memref_slice %arg4[%dma_wait3A_228, %dma_wait3A_229] : memref<1000000x32xf32, #tpu.memory_space<hbm>> -> memref<1000000x32xf32, #tpu.memory_space<hbm>>
    tpu.wait_indirect_dma semaphore(%arg18 : memref<!tpu.dma_semaphore, #tpu.memory_space<semaphore_mem>>) src(%dma_wait3A_230 : memref<1000000x32xf32, #tpu.memory_space<hbm>>) dst(%dma_wait3A_224 : memref<128x32xf32, #tpu.memory_space<vmem>>)
    %dma_wait3A_231 = arith.constant 2 : i32
    %dma_wait3A_232 = arith.constant 256 : i32
    %dma_wait3A_233 = arith.constant 0 : i32
    %dma_wait3A_234 = tpu.memref_slice %arg13[%dma_wait3A_232, %dma_wait3A_233] : memref<512x32xf32, #tpu.memory_space<vmem>> -> memref<128x32xf32, #tpu.memory_space<vmem>>
    %dma_wait3A_235 = arith.constant 0 : i32
    %dma_wait3A_236 = tpu.memref_slice %arg11[%dma_wait3A_231, %dma_wait3A_235] : memref<4x128xi32, #tpu.memory_space<vmem>> -> memref<1x128xi32, #tpu.memory_space<vmem>>
    %dma_wait3A_237 = tpu.memref_squeeze %dma_wait3A_236 : memref<1x128xi32, #tpu.memory_space<vmem>> -> memref<128xi32, #tpu.memory_space<vmem>>
    %dma_wait3A_238 = arith.constant 0 : i32
    %dma_wait3A_239 = arith.constant 0 : i32
    %dma_wait3A_240 = tpu.memref_slice %arg5[%dma_wait3A_238, %dma_wait3A_239] : memref<1000000x32xf32, #tpu.memory_space<hbm>> -> memref<1000000x32xf32, #tpu.memory_space<hbm>>
    tpu.wait_indirect_dma semaphore(%arg18 : memref<!tpu.dma_semaphore, #tpu.memory_space<semaphore_mem>>) src(%dma_wait3A_240 : memref<1000000x32xf32, #tpu.memory_space<hbm>>) dst(%dma_wait3A_234 : memref<128x32xf32, #tpu.memory_space<vmem>>)
    %dma_wait3A_241 = arith.constant 2 : i32
    %dma_wait3A_242 = arith.constant 256 : i32
    %dma_wait3A_243 = tpu.memref_slice %arg14[%dma_wait3A_242] : memref<512xf32, #tpu.memory_space<vmem>> -> memref<128xf32, #tpu.memory_space<vmem>>
    %dma_wait3A_244 = arith.constant 0 : i32
    %dma_wait3A_245 = tpu.memref_slice %arg10[%dma_wait3A_241, %dma_wait3A_244] : memref<4x128xi32, #tpu.memory_space<vmem>> -> memref<1x128xi32, #tpu.memory_space<vmem>>
    %dma_wait3A_246 = tpu.memref_squeeze %dma_wait3A_245 : memref<1x128xi32, #tpu.memory_space<vmem>> -> memref<128xi32, #tpu.memory_space<vmem>>
    %dma_wait3A_247 = arith.constant 0 : i32
    %dma_wait3A_248 = tpu.memref_slice %arg6[%dma_wait3A_247] : memref<1000000xf32, #tpu.memory_space<hbm>> -> memref<1000000xf32, #tpu.memory_space<hbm>>
    tpu.wait_indirect_dma semaphore(%arg18 : memref<!tpu.dma_semaphore, #tpu.memory_space<semaphore_mem>>) src(%dma_wait3A_248 : memref<1000000xf32, #tpu.memory_space<hbm>>) dst(%dma_wait3A_243 : memref<128xf32, #tpu.memory_space<vmem>>)
    %dma_wait3A_249 = arith.constant 2 : i32
    %dma_wait3A_250 = arith.constant 256 : i32
    %dma_wait3A_251 = tpu.memref_slice %arg15[%dma_wait3A_250] : memref<512xf32, #tpu.memory_space<vmem>> -> memref<128xf32, #tpu.memory_space<vmem>>
    %dma_wait3A_252 = arith.constant 0 : i32
    %dma_wait3A_253 = tpu.memref_slice %arg11[%dma_wait3A_249, %dma_wait3A_252] : memref<4x128xi32, #tpu.memory_space<vmem>> -> memref<1x128xi32, #tpu.memory_space<vmem>>
    %dma_wait3A_254 = tpu.memref_squeeze %dma_wait3A_253 : memref<1x128xi32, #tpu.memory_space<vmem>> -> memref<128xi32, #tpu.memory_space<vmem>>
    %dma_wait3A_255 = arith.constant 0 : i32
    %dma_wait3A_256 = tpu.memref_slice %arg7[%dma_wait3A_255] : memref<1000000xf32, #tpu.memory_space<hbm>> -> memref<1000000xf32, #tpu.memory_space<hbm>>
    tpu.wait_indirect_dma semaphore(%arg18 : memref<!tpu.dma_semaphore, #tpu.memory_space<semaphore_mem>>) src(%dma_wait3A_256 : memref<1000000xf32, #tpu.memory_space<hbm>>) dst(%dma_wait3A_251 : memref<128xf32, #tpu.memory_space<vmem>>)
    %dma_wait3A_257 = arith.constant 3 : i32
    %dma_wait3A_258 = arith.constant 384 : i32
    %dma_wait3A_259 = arith.constant 0 : i32
    %dma_wait3A_260 = tpu.memref_slice %arg12[%dma_wait3A_258, %dma_wait3A_259] : memref<512x32xf32, #tpu.memory_space<vmem>> -> memref<128x32xf32, #tpu.memory_space<vmem>>
    %dma_wait3A_261 = arith.constant 0 : i32
    %dma_wait3A_262 = tpu.memref_slice %arg10[%dma_wait3A_257, %dma_wait3A_261] : memref<4x128xi32, #tpu.memory_space<vmem>> -> memref<1x128xi32, #tpu.memory_space<vmem>>
    %dma_wait3A_263 = tpu.memref_squeeze %dma_wait3A_262 : memref<1x128xi32, #tpu.memory_space<vmem>> -> memref<128xi32, #tpu.memory_space<vmem>>
    %dma_wait3A_264 = arith.constant 0 : i32
    %dma_wait3A_265 = arith.constant 0 : i32
    %dma_wait3A_266 = tpu.memref_slice %arg4[%dma_wait3A_264, %dma_wait3A_265] : memref<1000000x32xf32, #tpu.memory_space<hbm>> -> memref<1000000x32xf32, #tpu.memory_space<hbm>>
    tpu.wait_indirect_dma semaphore(%arg18 : memref<!tpu.dma_semaphore, #tpu.memory_space<semaphore_mem>>) src(%dma_wait3A_266 : memref<1000000x32xf32, #tpu.memory_space<hbm>>) dst(%dma_wait3A_260 : memref<128x32xf32, #tpu.memory_space<vmem>>)
    %dma_wait3A_267 = arith.constant 3 : i32
    %dma_wait3A_268 = arith.constant 384 : i32
    %dma_wait3A_269 = arith.constant 0 : i32
    %dma_wait3A_270 = tpu.memref_slice %arg13[%dma_wait3A_268, %dma_wait3A_269] : memref<512x32xf32, #tpu.memory_space<vmem>> -> memref<128x32xf32, #tpu.memory_space<vmem>>
    %dma_wait3A_271 = arith.constant 0 : i32
    %dma_wait3A_272 = tpu.memref_slice %arg11[%dma_wait3A_267, %dma_wait3A_271] : memref<4x128xi32, #tpu.memory_space<vmem>> -> memref<1x128xi32, #tpu.memory_space<vmem>>
    %dma_wait3A_273 = tpu.memref_squeeze %dma_wait3A_272 : memref<1x128xi32, #tpu.memory_space<vmem>> -> memref<128xi32, #tpu.memory_space<vmem>>
    %dma_wait3A_274 = arith.constant 0 : i32
    %dma_wait3A_275 = arith.constant 0 : i32
    %dma_wait3A_276 = tpu.memref_slice %arg5[%dma_wait3A_274, %dma_wait3A_275] : memref<1000000x32xf32, #tpu.memory_space<hbm>> -> memref<1000000x32xf32, #tpu.memory_space<hbm>>
    tpu.wait_indirect_dma semaphore(%arg18 : memref<!tpu.dma_semaphore, #tpu.memory_space<semaphore_mem>>) src(%dma_wait3A_276 : memref<1000000x32xf32, #tpu.memory_space<hbm>>) dst(%dma_wait3A_270 : memref<128x32xf32, #tpu.memory_space<vmem>>)
    %dma_wait3A_277 = arith.constant 3 : i32
    %dma_wait3A_278 = arith.constant 384 : i32
    %dma_wait3A_279 = tpu.memref_slice %arg14[%dma_wait3A_278] : memref<512xf32, #tpu.memory_space<vmem>> -> memref<128xf32, #tpu.memory_space<vmem>>
    %dma_wait3A_280 = arith.constant 0 : i32
    %dma_wait3A_281 = tpu.memref_slice %arg10[%dma_wait3A_277, %dma_wait3A_280] : memref<4x128xi32, #tpu.memory_space<vmem>> -> memref<1x128xi32, #tpu.memory_space<vmem>>
    %dma_wait3A_282 = tpu.memref_squeeze %dma_wait3A_281 : memref<1x128xi32, #tpu.memory_space<vmem>> -> memref<128xi32, #tpu.memory_space<vmem>>
    %dma_wait3A_283 = arith.constant 0 : i32
    %dma_wait3A_284 = tpu.memref_slice %arg6[%dma_wait3A_283] : memref<1000000xf32, #tpu.memory_space<hbm>> -> memref<1000000xf32, #tpu.memory_space<hbm>>
    tpu.wait_indirect_dma semaphore(%arg18 : memref<!tpu.dma_semaphore, #tpu.memory_space<semaphore_mem>>) src(%dma_wait3A_284 : memref<1000000xf32, #tpu.memory_space<hbm>>) dst(%dma_wait3A_279 : memref<128xf32, #tpu.memory_space<vmem>>)
    %dma_wait3A_285 = arith.constant 3 : i32
    %dma_wait3A_286 = arith.constant 384 : i32
    %dma_wait3A_287 = tpu.memref_slice %arg15[%dma_wait3A_286] : memref<512xf32, #tpu.memory_space<vmem>> -> memref<128xf32, #tpu.memory_space<vmem>>
    %dma_wait3A_288 = arith.constant 0 : i32
    %dma_wait3A_289 = tpu.memref_slice %arg11[%dma_wait3A_285, %dma_wait3A_288] : memref<4x128xi32, #tpu.memory_space<vmem>> -> memref<1x128xi32, #tpu.memory_space<vmem>>
    %dma_wait3A_290 = tpu.memref_squeeze %dma_wait3A_289 : memref<1x128xi32, #tpu.memory_space<vmem>> -> memref<128xi32, #tpu.memory_space<vmem>>
    %dma_wait3A_291 = arith.constant 0 : i32
    %dma_wait3A_292 = tpu.memref_slice %arg7[%dma_wait3A_291] : memref<1000000xf32, #tpu.memory_space<hbm>> -> memref<1000000xf32, #tpu.memory_space<hbm>>
    tpu.wait_indirect_dma semaphore(%arg18 : memref<!tpu.dma_semaphore, #tpu.memory_space<semaphore_mem>>) src(%dma_wait3A_292 : memref<1000000xf32, #tpu.memory_space<hbm>>) dst(%dma_wait3A_287 : memref<128xf32, #tpu.memory_space<vmem>>)
    %get3A = arith.constant 0 : index
    %get3A_293 = tpu.vector_load %arg16[%get3A] {strides = array<i32>} : memref<16xf32, #tpu.memory_space<vmem>>, vector<16xf32>,
    %iota3A = tpu.iota {dimensions = array<i32: 0>} : vector<16xi32>
    %scan3A = arith.constant 0 : i32
    %scan3A_294 = arith.constant 32 : i32
    %scan3A_295 = arith.addi %scan3A, %scan3A_294 : i32
    %scan3A_296 = arith.constant 1 : i32
    scf.for %scan3A_298 = %scan3A to %scan3A_295 step %scan3A_296  : i32 {
      %mul3A_299 = arith.constant 16 : i32
      %mul3A_300 = arith.muli %scan3A_298, %mul3A_299 : i32
      %add3A_301 = vector.broadcast %mul3A_300 : i32 to vector<16xi32>
      %add3A_302 = arith.addi %iota3A, %add3A_301 : vector<16xi32>
      %get3A_303 = arith.index_cast %mul3A_300 : i32 to index
      %get3A_304 = tpu.vector_load %arg14[%get3A_303] {strides = array<i32>} : memref<512xf32, #tpu.memory_space<vmem>>, vector<16xf32>,
      %get3A_305 = arith.index_cast %mul3A_300 : i32 to index
      %get3A_306 = tpu.vector_load %arg15[%get3A_305] {strides = array<i32>} : memref<512xf32, #tpu.memory_space<vmem>>, vector<16xf32>,
      %add3A_307 = arith.addf %get3A_304, %get3A_306 : vector<16xf32>
      %add3A_308 = arith.addf %add3A_307, %get3A_293 : vector<16xf32>
      %broadcast_in_dim3A = arith.constant 0 : i32
      %broadcast_in_dim3A_309 = vector.broadcast %broadcast_in_dim3A : i32 to vector<16xi32>
      %gather3A = tpu.vector_load_idx %arg12[%add3A_302, %broadcast_in_dim3A_309] : memref<512x32xf32, #tpu.memory_space<vmem>>[vector<16xi32>, vector<16xi32>], vector<16xf32>,
      %gather3A_310 = tpu.vector_load_idx %arg13[%add3A_302, %broadcast_in_dim3A_309] : memref<512x32xf32, #tpu.memory_space<vmem>>[vector<16xi32>, vector<16xi32>], vector<16xf32>,
      %mul3A_311 = arith.mulf %gather3A, %gather3A_310 : vector<16xf32>
      %add3A_312 = arith.addf %add3A_308, %mul3A_311 : vector<16xf32>
      %broadcast_in_dim3A_313 = arith.constant 1 : i32
      %broadcast_in_dim3A_314 = vector.broadcast %broadcast_in_dim3A_313 : i32 to vector<16xi32>
      %gather3A_315 = tpu.vector_load_idx %arg12[%add3A_302, %broadcast_in_dim3A_314] : memref<512x32xf32, #tpu.memory_space<vmem>>[vector<16xi32>, vector<16xi32>], vector<16xf32>,
      %gather3A_316 = tpu.vector_load_idx %arg13[%add3A_302, %broadcast_in_dim3A_314] : memref<512x32xf32, #tpu.memory_space<vmem>>[vector<16xi32>, vector<16xi32>], vector<16xf32>,
      %mul3A_317 = arith.mulf %gather3A_315, %gather3A_316 : vector<16xf32>
      %add3A_318 = arith.addf %add3A_312, %mul3A_317 : vector<16xf32>
      %broadcast_in_dim3A_319 = arith.constant 2 : i32
      %broadcast_in_dim3A_320 = vector.broadcast %broadcast_in_dim3A_319 : i32 to vector<16xi32>
      %gather3A_321 = tpu.vector_load_idx %arg12[%add3A_302, %broadcast_in_dim3A_320] : memref<512x32xf32, #tpu.memory_space<vmem>>[vector<16xi32>, vector<16xi32>], vector<16xf32>,
      %gather3A_322 = tpu.vector_load_idx %arg13[%add3A_302, %broadcast_in_dim3A_320] : memref<512x32xf32, #tpu.memory_space<vmem>>[vector<16xi32>, vector<16xi32>], vector<16xf32>,
      %mul3A_323 = arith.mulf %gather3A_321, %gather3A_322 : vector<16xf32>
      %add3A_324 = arith.addf %add3A_318, %mul3A_323 : vector<16xf32>
      %broadcast_in_dim3A_325 = arith.constant 3 : i32
      %broadcast_in_dim3A_326 = vector.broadcast %broadcast_in_dim3A_325 : i32 to vector<16xi32>
      %gather3A_327 = tpu.vector_load_idx %arg12[%add3A_302, %broadcast_in_dim3A_326] : memref<512x32xf32, #tpu.memory_space<vmem>>[vector<16xi32>, vector<16xi32>], vector<16xf32>,
      %gather3A_328 = tpu.vector_load_idx %arg13[%add3A_302, %broadcast_in_dim3A_326] : memref<512x32xf32, #tpu.memory_space<vmem>>[vector<16xi32>, vector<16xi32>], vector<16xf32>,
      %mul3A_329 = arith.mulf %gather3A_327, %gather3A_328 : vector<16xf32>
      %add3A_330 = arith.addf %add3A_324, %mul3A_329 : vector<16xf32>
      %broadcast_in_dim3A_331 = arith.constant 4 : i32
      %broadcast_in_dim3A_332 = vector.broadcast %broadcast_in_dim3A_331 : i32 to vector<16xi32>
      %gather3A_333 = tpu.vector_load_idx %arg12[%add3A_302, %broadcast_in_dim3A_332] : memref<512x32xf32, #tpu.memory_space<vmem>>[vector<16xi32>, vector<16xi32>], vector<16xf32>,
      %gather3A_334 = tpu.vector_load_idx %arg13[%add3A_302, %broadcast_in_dim3A_332] : memref<512x32xf32, #tpu.memory_space<vmem>>[vector<16xi32>, vector<16xi32>], vector<16xf32>,
      %mul3A_335 = arith.mulf %gather3A_333, %gather3A_334 : vector<16xf32>
      %add3A_336 = arith.addf %add3A_330, %mul3A_335 : vector<16xf32>
      %broadcast_in_dim3A_337 = arith.constant 5 : i32
      %broadcast_in_dim3A_338 = vector.broadcast %broadcast_in_dim3A_337 : i32 to vector<16xi32>
      %gather3A_339 = tpu.vector_load_idx %arg12[%add3A_302, %broadcast_in_dim3A_338] : memref<512x32xf32, #tpu.memory_space<vmem>>[vector<16xi32>, vector<16xi32>], vector<16xf32>,
      %gather3A_340 = tpu.vector_load_idx %arg13[%add3A_302, %broadcast_in_dim3A_338] : memref<512x32xf32, #tpu.memory_space<vmem>>[vector<16xi32>, vector<16xi32>], vector<16xf32>,
      %mul3A_341 = arith.mulf %gather3A_339, %gather3A_340 : vector<16xf32>
      %add3A_342 = arith.addf %add3A_336, %mul3A_341 : vector<16xf32>
      %broadcast_in_dim3A_343 = arith.constant 6 : i32
      %broadcast_in_dim3A_344 = vector.broadcast %broadcast_in_dim3A_343 : i32 to vector<16xi32>
      %gather3A_345 = tpu.vector_load_idx %arg12[%add3A_302, %broadcast_in_dim3A_344] : memref<512x32xf32, #tpu.memory_space<vmem>>[vector<16xi32>, vector<16xi32>], vector<16xf32>,
      %gather3A_346 = tpu.vector_load_idx %arg13[%add3A_302, %broadcast_in_dim3A_344] : memref<512x32xf32, #tpu.memory_space<vmem>>[vector<16xi32>, vector<16xi32>], vector<16xf32>,
      %mul3A_347 = arith.mulf %gather3A_345, %gather3A_346 : vector<16xf32>
      %add3A_348 = arith.addf %add3A_342, %mul3A_347 : vector<16xf32>
      %broadcast_in_dim3A_349 = arith.constant 7 : i32
      %broadcast_in_dim3A_350 = vector.broadcast %broadcast_in_dim3A_349 : i32 to vector<16xi32>
      %gather3A_351 = tpu.vector_load_idx %arg12[%add3A_302, %broadcast_in_dim3A_350] : memref<512x32xf32, #tpu.memory_space<vmem>>[vector<16xi32>, vector<16xi32>], vector<16xf32>,
      %gather3A_352 = tpu.vector_load_idx %arg13[%add3A_302, %broadcast_in_dim3A_350] : memref<512x32xf32, #tpu.memory_space<vmem>>[vector<16xi32>, vector<16xi32>], vector<16xf32>,
      %mul3A_353 = arith.mulf %gather3A_351, %gather3A_352 : vector<16xf32>
      %add3A_354 = arith.addf %add3A_348, %mul3A_353 : vector<16xf32>
      %broadcast_in_dim3A_355 = arith.constant 8 : i32
      %broadcast_in_dim3A_356 = vector.broadcast %broadcast_in_dim3A_355 : i32 to vector<16xi32>
      %gather3A_357 = tpu.vector_load_idx %arg12[%add3A_302, %broadcast_in_dim3A_356] : memref<512x32xf32, #tpu.memory_space<vmem>>[vector<16xi32>, vector<16xi32>], vector<16xf32>,
      %gather3A_358 = tpu.vector_load_idx %arg13[%add3A_302, %broadcast_in_dim3A_356] : memref<512x32xf32, #tpu.memory_space<vmem>>[vector<16xi32>, vector<16xi32>], vector<16xf32>,
      %mul3A_359 = arith.mulf %gather3A_357, %gather3A_358 : vector<16xf32>
      %add3A_360 = arith.addf %add3A_354, %mul3A_359 : vector<16xf32>
      %broadcast_in_dim3A_361 = arith.constant 9 : i32
      %broadcast_in_dim3A_362 = vector.broadcast %broadcast_in_dim3A_361 : i32 to vector<16xi32>
      %gather3A_363 = tpu.vector_load_idx %arg12[%add3A_302, %broadcast_in_dim3A_362] : memref<512x32xf32, #tpu.memory_space<vmem>>[vector<16xi32>, vector<16xi32>], vector<16xf32>,
      %gather3A_364 = tpu.vector_load_idx %arg13[%add3A_302, %broadcast_in_dim3A_362] : memref<512x32xf32, #tpu.memory_space<vmem>>[vector<16xi32>, vector<16xi32>], vector<16xf32>,
      %mul3A_365 = arith.mulf %gather3A_363, %gather3A_364 : vector<16xf32>
      %add3A_366 = arith.addf %add3A_360, %mul3A_365 : vector<16xf32>
      %broadcast_in_dim3A_367 = arith.constant 10 : i32
      %broadcast_in_dim3A_368 = vector.broadcast %broadcast_in_dim3A_367 : i32 to vector<16xi32>
      %gather3A_369 = tpu.vector_load_idx %arg12[%add3A_302, %broadcast_in_dim3A_368] : memref<512x32xf32, #tpu.memory_space<vmem>>[vector<16xi32>, vector<16xi32>], vector<16xf32>,
      %gather3A_370 = tpu.vector_load_idx %arg13[%add3A_302, %broadcast_in_dim3A_368] : memref<512x32xf32, #tpu.memory_space<vmem>>[vector<16xi32>, vector<16xi32>], vector<16xf32>,
      %mul3A_371 = arith.mulf %gather3A_369, %gather3A_370 : vector<16xf32>
      %add3A_372 = arith.addf %add3A_366, %mul3A_371 : vector<16xf32>
      %broadcast_in_dim3A_373 = arith.constant 11 : i32
      %broadcast_in_dim3A_374 = vector.broadcast %broadcast_in_dim3A_373 : i32 to vector<16xi32>
      %gather3A_375 = tpu.vector_load_idx %arg12[%add3A_302, %broadcast_in_dim3A_374] : memref<512x32xf32, #tpu.memory_space<vmem>>[vector<16xi32>, vector<16xi32>], vector<16xf32>,
      %gather3A_376 = tpu.vector_load_idx %arg13[%add3A_302, %broadcast_in_dim3A_374] : memref<512x32xf32, #tpu.memory_space<vmem>>[vector<16xi32>, vector<16xi32>], vector<16xf32>,
      %mul3A_377 = arith.mulf %gather3A_375, %gather3A_376 : vector<16xf32>
      %add3A_378 = arith.addf %add3A_372, %mul3A_377 : vector<16xf32>
      %broadcast_in_dim3A_379 = arith.constant 12 : i32
      %broadcast_in_dim3A_380 = vector.broadcast %broadcast_in_dim3A_379 : i32 to vector<16xi32>
      %gather3A_381 = tpu.vector_load_idx %arg12[%add3A_302, %broadcast_in_dim3A_380] : memref<512x32xf32, #tpu.memory_space<vmem>>[vector<16xi32>, vector<16xi32>], vector<16xf32>,
      %gather3A_382 = tpu.vector_load_idx %arg13[%add3A_302, %broadcast_in_dim3A_380] : memref<512x32xf32, #tpu.memory_space<vmem>>[vector<16xi32>, vector<16xi32>], vector<16xf32>,
      %mul3A_383 = arith.mulf %gather3A_381, %gather3A_382 : vector<16xf32>
      %add3A_384 = arith.addf %add3A_378, %mul3A_383 : vector<16xf32>
      %broadcast_in_dim3A_385 = arith.constant 13 : i32
      %broadcast_in_dim3A_386 = vector.broadcast %broadcast_in_dim3A_385 : i32 to vector<16xi32>
      %gather3A_387 = tpu.vector_load_idx %arg12[%add3A_302, %broadcast_in_dim3A_386] : memref<512x32xf32, #tpu.memory_space<vmem>>[vector<16xi32>, vector<16xi32>], vector<16xf32>,
      %gather3A_388 = tpu.vector_load_idx %arg13[%add3A_302, %broadcast_in_dim3A_386] : memref<512x32xf32, #tpu.memory_space<vmem>>[vector<16xi32>, vector<16xi32>], vector<16xf32>,
      %mul3A_389 = arith.mulf %gather3A_387, %gather3A_388 : vector<16xf32>
      %add3A_390 = arith.addf %add3A_384, %mul3A_389 : vector<16xf32>
      %broadcast_in_dim3A_391 = arith.constant 14 : i32
      %broadcast_in_dim3A_392 = vector.broadcast %broadcast_in_dim3A_391 : i32 to vector<16xi32>
      %gather3A_393 = tpu.vector_load_idx %arg12[%add3A_302, %broadcast_in_dim3A_392] : memref<512x32xf32, #tpu.memory_space<vmem>>[vector<16xi32>, vector<16xi32>], vector<16xf32>,
      %gather3A_394 = tpu.vector_load_idx %arg13[%add3A_302, %broadcast_in_dim3A_392] : memref<512x32xf32, #tpu.memory_space<vmem>>[vector<16xi32>, vector<16xi32>], vector<16xf32>,
      %mul3A_395 = arith.mulf %gather3A_393, %gather3A_394 : vector<16xf32>
      %add3A_396 = arith.addf %add3A_390, %mul3A_395 : vector<16xf32>
      %broadcast_in_dim3A_397 = arith.constant 15 : i32
      %broadcast_in_dim3A_398 = vector.broadcast %broadcast_in_dim3A_397 : i32 to vector<16xi32>
      %gather3A_399 = tpu.vector_load_idx %arg12[%add3A_302, %broadcast_in_dim3A_398] : memref<512x32xf32, #tpu.memory_space<vmem>>[vector<16xi32>, vector<16xi32>], vector<16xf32>,
      %gather3A_400 = tpu.vector_load_idx %arg13[%add3A_302, %broadcast_in_dim3A_398] : memref<512x32xf32, #tpu.memory_space<vmem>>[vector<16xi32>, vector<16xi32>], vector<16xf32>,
      %mul3A_401 = arith.mulf %gather3A_399, %gather3A_400 : vector<16xf32>
      %add3A_402 = arith.addf %add3A_396, %mul3A_401 : vector<16xf32>
      %broadcast_in_dim3A_403 = arith.constant 16 : i32
      %broadcast_in_dim3A_404 = vector.broadcast %broadcast_in_dim3A_403 : i32 to vector<16xi32>
      %gather3A_405 = tpu.vector_load_idx %arg12[%add3A_302, %broadcast_in_dim3A_404] : memref<512x32xf32, #tpu.memory_space<vmem>>[vector<16xi32>, vector<16xi32>], vector<16xf32>,
      %gather3A_406 = tpu.vector_load_idx %arg13[%add3A_302, %broadcast_in_dim3A_404] : memref<512x32xf32, #tpu.memory_space<vmem>>[vector<16xi32>, vector<16xi32>], vector<16xf32>,
      %mul3A_407 = arith.mulf %gather3A_405, %gather3A_406 : vector<16xf32>
      %add3A_408 = arith.addf %add3A_402, %mul3A_407 : vector<16xf32>
      %broadcast_in_dim3A_409 = arith.constant 17 : i32
      %broadcast_in_dim3A_410 = vector.broadcast %broadcast_in_dim3A_409 : i32 to vector<16xi32>
      %gather3A_411 = tpu.vector_load_idx %arg12[%add3A_302, %broadcast_in_dim3A_410] : memref<512x32xf32, #tpu.memory_space<vmem>>[vector<16xi32>, vector<16xi32>], vector<16xf32>,
      %gather3A_412 = tpu.vector_load_idx %arg13[%add3A_302, %broadcast_in_dim3A_410] : memref<512x32xf32, #tpu.memory_space<vmem>>[vector<16xi32>, vector<16xi32>], vector<16xf32>,
      %mul3A_413 = arith.mulf %gather3A_411, %gather3A_412 : vector<16xf32>
      %add3A_414 = arith.addf %add3A_408, %mul3A_413 : vector<16xf32>
      %broadcast_in_dim3A_415 = arith.constant 18 : i32
      %broadcast_in_dim3A_416 = vector.broadcast %broadcast_in_dim3A_415 : i32 to vector<16xi32>
      %gather3A_417 = tpu.vector_load_idx %arg12[%add3A_302, %broadcast_in_dim3A_416] : memref<512x32xf32, #tpu.memory_space<vmem>>[vector<16xi32>, vector<16xi32>], vector<16xf32>,
      %gather3A_418 = tpu.vector_load_idx %arg13[%add3A_302, %broadcast_in_dim3A_416] : memref<512x32xf32, #tpu.memory_space<vmem>>[vector<16xi32>, vector<16xi32>], vector<16xf32>,
      %mul3A_419 = arith.mulf %gather3A_417, %gather3A_418 : vector<16xf32>
      %add3A_420 = arith.addf %add3A_414, %mul3A_419 : vector<16xf32>
      %broadcast_in_dim3A_421 = arith.constant 19 : i32
      %broadcast_in_dim3A_422 = vector.broadcast %broadcast_in_dim3A_421 : i32 to vector<16xi32>
      %gather3A_423 = tpu.vector_load_idx %arg12[%add3A_302, %broadcast_in_dim3A_422] : memref<512x32xf32, #tpu.memory_space<vmem>>[vector<16xi32>, vector<16xi32>], vector<16xf32>,
      %gather3A_424 = tpu.vector_load_idx %arg13[%add3A_302, %broadcast_in_dim3A_422] : memref<512x32xf32, #tpu.memory_space<vmem>>[vector<16xi32>, vector<16xi32>], vector<16xf32>,
      %mul3A_425 = arith.mulf %gather3A_423, %gather3A_424 : vector<16xf32>
      %add3A_426 = arith.addf %add3A_420, %mul3A_425 : vector<16xf32>
      %broadcast_in_dim3A_427 = arith.constant 20 : i32
      %broadcast_in_dim3A_428 = vector.broadcast %broadcast_in_dim3A_427 : i32 to vector<16xi32>
      %gather3A_429 = tpu.vector_load_idx %arg12[%add3A_302, %broadcast_in_dim3A_428] : memref<512x32xf32, #tpu.memory_space<vmem>>[vector<16xi32>, vector<16xi32>], vector<16xf32>,
      %gather3A_430 = tpu.vector_load_idx %arg13[%add3A_302, %broadcast_in_dim3A_428] : memref<512x32xf32, #tpu.memory_space<vmem>>[vector<16xi32>, vector<16xi32>], vector<16xf32>,
      %mul3A_431 = arith.mulf %gather3A_429, %gather3A_430 : vector<16xf32>
      %add3A_432 = arith.addf %add3A_426, %mul3A_431 : vector<16xf32>
      %broadcast_in_dim3A_433 = arith.constant 21 : i32
      %broadcast_in_dim3A_434 = vector.broadcast %broadcast_in_dim3A_433 : i32 to vector<16xi32>
      %gather3A_435 = tpu.vector_load_idx %arg12[%add3A_302, %broadcast_in_dim3A_434] : memref<512x32xf32, #tpu.memory_space<vmem>>[vector<16xi32>, vector<16xi32>], vector<16xf32>,
      %gather3A_436 = tpu.vector_load_idx %arg13[%add3A_302, %broadcast_in_dim3A_434] : memref<512x32xf32, #tpu.memory_space<vmem>>[vector<16xi32>, vector<16xi32>], vector<16xf32>,
      %mul3A_437 = arith.mulf %gather3A_435, %gather3A_436 : vector<16xf32>
      %add3A_438 = arith.addf %add3A_432, %mul3A_437 : vector<16xf32>
      %broadcast_in_dim3A_439 = arith.constant 22 : i32
      %broadcast_in_dim3A_440 = vector.broadcast %broadcast_in_dim3A_439 : i32 to vector<16xi32>
      %gather3A_441 = tpu.vector_load_idx %arg12[%add3A_302, %broadcast_in_dim3A_440] : memref<512x32xf32, #tpu.memory_space<vmem>>[vector<16xi32>, vector<16xi32>], vector<16xf32>,
      %gather3A_442 = tpu.vector_load_idx %arg13[%add3A_302, %broadcast_in_dim3A_440] : memref<512x32xf32, #tpu.memory_space<vmem>>[vector<16xi32>, vector<16xi32>], vector<16xf32>,
      %mul3A_443 = arith.mulf %gather3A_441, %gather3A_442 : vector<16xf32>
      %add3A_444 = arith.addf %add3A_438, %mul3A_443 : vector<16xf32>
      %broadcast_in_dim3A_445 = arith.constant 23 : i32
      %broadcast_in_dim3A_446 = vector.broadcast %broadcast_in_dim3A_445 : i32 to vector<16xi32>
      %gather3A_447 = tpu.vector_load_idx %arg12[%add3A_302, %broadcast_in_dim3A_446] : memref<512x32xf32, #tpu.memory_space<vmem>>[vector<16xi32>, vector<16xi32>], vector<16xf32>,
      %gather3A_448 = tpu.vector_load_idx %arg13[%add3A_302, %broadcast_in_dim3A_446] : memref<512x32xf32, #tpu.memory_space<vmem>>[vector<16xi32>, vector<16xi32>], vector<16xf32>,
      %mul3A_449 = arith.mulf %gather3A_447, %gather3A_448 : vector<16xf32>
      %add3A_450 = arith.addf %add3A_444, %mul3A_449 : vector<16xf32>
      %broadcast_in_dim3A_451 = arith.constant 24 : i32
      %broadcast_in_dim3A_452 = vector.broadcast %broadcast_in_dim3A_451 : i32 to vector<16xi32>
      %gather3A_453 = tpu.vector_load_idx %arg12[%add3A_302, %broadcast_in_dim3A_452] : memref<512x32xf32, #tpu.memory_space<vmem>>[vector<16xi32>, vector<16xi32>], vector<16xf32>,
      %gather3A_454 = tpu.vector_load_idx %arg13[%add3A_302, %broadcast_in_dim3A_452] : memref<512x32xf32, #tpu.memory_space<vmem>>[vector<16xi32>, vector<16xi32>], vector<16xf32>,
      %mul3A_455 = arith.mulf %gather3A_453, %gather3A_454 : vector<16xf32>
      %add3A_456 = arith.addf %add3A_450, %mul3A_455 : vector<16xf32>
      %broadcast_in_dim3A_457 = arith.constant 25 : i32
      %broadcast_in_dim3A_458 = vector.broadcast %broadcast_in_dim3A_457 : i32 to vector<16xi32>
      %gather3A_459 = tpu.vector_load_idx %arg12[%add3A_302, %broadcast_in_dim3A_458] : memref<512x32xf32, #tpu.memory_space<vmem>>[vector<16xi32>, vector<16xi32>], vector<16xf32>,
      %gather3A_460 = tpu.vector_load_idx %arg13[%add3A_302, %broadcast_in_dim3A_458] : memref<512x32xf32, #tpu.memory_space<vmem>>[vector<16xi32>, vector<16xi32>], vector<16xf32>,
      %mul3A_461 = arith.mulf %gather3A_459, %gather3A_460 : vector<16xf32>
      %add3A_462 = arith.addf %add3A_456, %mul3A_461 : vector<16xf32>
      %broadcast_in_dim3A_463 = arith.constant 26 : i32
      %broadcast_in_dim3A_464 = vector.broadcast %broadcast_in_dim3A_463 : i32 to vector<16xi32>
      %gather3A_465 = tpu.vector_load_idx %arg12[%add3A_302, %broadcast_in_dim3A_464] : memref<512x32xf32, #tpu.memory_space<vmem>>[vector<16xi32>, vector<16xi32>], vector<16xf32>,
      %gather3A_466 = tpu.vector_load_idx %arg13[%add3A_302, %broadcast_in_dim3A_464] : memref<512x32xf32, #tpu.memory_space<vmem>>[vector<16xi32>, vector<16xi32>], vector<16xf32>,
      %mul3A_467 = arith.mulf %gather3A_465, %gather3A_466 : vector<16xf32>
      %add3A_468 = arith.addf %add3A_462, %mul3A_467 : vector<16xf32>
      %broadcast_in_dim3A_469 = arith.constant 27 : i32
      %broadcast_in_dim3A_470 = vector.broadcast %broadcast_in_dim3A_469 : i32 to vector<16xi32>
      %gather3A_471 = tpu.vector_load_idx %arg12[%add3A_302, %broadcast_in_dim3A_470] : memref<512x32xf32, #tpu.memory_space<vmem>>[vector<16xi32>, vector<16xi32>], vector<16xf32>,
      %gather3A_472 = tpu.vector_load_idx %arg13[%add3A_302, %broadcast_in_dim3A_470] : memref<512x32xf32, #tpu.memory_space<vmem>>[vector<16xi32>, vector<16xi32>], vector<16xf32>,
      %mul3A_473 = arith.mulf %gather3A_471, %gather3A_472 : vector<16xf32>
      %add3A_474 = arith.addf %add3A_468, %mul3A_473 : vector<16xf32>
      %broadcast_in_dim3A_475 = arith.constant 28 : i32
      %broadcast_in_dim3A_476 = vector.broadcast %broadcast_in_dim3A_475 : i32 to vector<16xi32>
      %gather3A_477 = tpu.vector_load_idx %arg12[%add3A_302, %broadcast_in_dim3A_476] : memref<512x32xf32, #tpu.memory_space<vmem>>[vector<16xi32>, vector<16xi32>], vector<16xf32>,
      %gather3A_478 = tpu.vector_load_idx %arg13[%add3A_302, %broadcast_in_dim3A_476] : memref<512x32xf32, #tpu.memory_space<vmem>>[vector<16xi32>, vector<16xi32>], vector<16xf32>,
      %mul3A_479 = arith.mulf %gather3A_477, %gather3A_478 : vector<16xf32>
      %add3A_480 = arith.addf %add3A_474, %mul3A_479 : vector<16xf32>
      %broadcast_in_dim3A_481 = arith.constant 29 : i32
      %broadcast_in_dim3A_482 = vector.broadcast %broadcast_in_dim3A_481 : i32 to vector<16xi32>
      %gather3A_483 = tpu.vector_load_idx %arg12[%add3A_302, %broadcast_in_dim3A_482] : memref<512x32xf32, #tpu.memory_space<vmem>>[vector<16xi32>, vector<16xi32>], vector<16xf32>,
      %gather3A_484 = tpu.vector_load_idx %arg13[%add3A_302, %broadcast_in_dim3A_482] : memref<512x32xf32, #tpu.memory_space<vmem>>[vector<16xi32>, vector<16xi32>], vector<16xf32>,
      %mul3A_485 = arith.mulf %gather3A_483, %gather3A_484 : vector<16xf32>
      %add3A_486 = arith.addf %add3A_480, %mul3A_485 : vector<16xf32>
      %broadcast_in_dim3A_487 = arith.constant 30 : i32
      %broadcast_in_dim3A_488 = vector.broadcast %broadcast_in_dim3A_487 : i32 to vector<16xi32>
      %gather3A_489 = tpu.vector_load_idx %arg12[%add3A_302, %broadcast_in_dim3A_488] : memref<512x32xf32, #tpu.memory_space<vmem>>[vector<16xi32>, vector<16xi32>], vector<16xf32>,
      %gather3A_490 = tpu.vector_load_idx %arg13[%add3A_302, %broadcast_in_dim3A_488] : memref<512x32xf32, #tpu.memory_space<vmem>>[vector<16xi32>, vector<16xi32>], vector<16xf32>,
      %mul3A_491 = arith.mulf %gather3A_489, %gather3A_490 : vector<16xf32>
      %add3A_492 = arith.addf %add3A_486, %mul3A_491 : vector<16xf32>
      %broadcast_in_dim3A_493 = arith.constant 31 : i32
      %broadcast_in_dim3A_494 = vector.broadcast %broadcast_in_dim3A_493 : i32 to vector<16xi32>
      %gather3A_495 = tpu.vector_load_idx %arg12[%add3A_302, %broadcast_in_dim3A_494] : memref<512x32xf32, #tpu.memory_space<vmem>>[vector<16xi32>, vector<16xi32>], vector<16xf32>,
      %gather3A_496 = tpu.vector_load_idx %arg13[%add3A_302, %broadcast_in_dim3A_494] : memref<512x32xf32, #tpu.memory_space<vmem>>[vector<16xi32>, vector<16xi32>], vector<16xf32>,
      %mul3A_497 = arith.mulf %gather3A_495, %gather3A_496 : vector<16xf32>
      %add3A_498 = arith.addf %add3A_492, %mul3A_497 : vector<16xf32>
      %swap3A = arith.index_cast %mul3A_300 : i32 to index
      %swap3A_499 = tpu.vector_load %arg17[%swap3A] {strides = array<i32>} : memref<512xf32, #tpu.memory_space<vmem>>, vector<16xf32>,
      tpu.vector_store %arg17[%swap3A], %add3A_498 {strides = array<i32>} : memref<512xf32, #tpu.memory_space<vmem>>, vector<16xf32>,
    }
    %scan3A_297 = arith.constant 32 : i32
    "tpu.region"() ({
      %run_scoped3A = tpu.sem_alloc : memref<!tpu.dma_semaphore, #tpu.memory_space<semaphore_mem>>
      %dma_start3A_298 = tpu.memref_slice %arg9[%mul3A_2] : memref<16384xf32, #tpu.memory_space<hbm>> -> memref<512xf32, #tpu.memory_space<hbm>>
      %dma_start3A_299 = tpu.memref_slice %arg9[%mul3A_2] : memref<16384xf32, #tpu.memory_space<hbm>> -> memref<512xf32, #tpu.memory_space<hbm>>
      tpu.enqueue_dma source(%arg17 : memref<512xf32, #tpu.memory_space<vmem>>) target(%dma_start3A_299 : memref<512xf32, #tpu.memory_space<hbm>>) target_semaphore(%run_scoped3A : memref<!tpu.dma_semaphore, #tpu.memory_space<semaphore_mem>>)
      %dma_wait3A_300 = tpu.memref_slice %arg9[%mul3A_2] : memref<16384xf32, #tpu.memory_space<hbm>> -> memref<512xf32, #tpu.memory_space<hbm>>
      %dma_wait3A_301 = tpu.memref_slice %arg9[%mul3A_2] : memref<16384xf32, #tpu.memory_space<hbm>> -> memref<512xf32, #tpu.memory_space<hbm>>
      tpu.wait_dma2 semaphore(%run_scoped3A : memref<!tpu.dma_semaphore, #tpu.memory_space<semaphore_mem>>) src(%arg17 : memref<512xf32, #tpu.memory_space<vmem>>) dst(%dma_wait3A_301 : memref<512xf32, #tpu.memory_space<hbm>>)
      tpu.yield
    }) : () -> ()
    return
  }
}

</mosaic_0001>

<sc_bundles>
// kernel: _mf_sc.3.cloned.1.call-start
scs
__scs_entry_jumppad:
0x0: {  	(pc) =	sbr.rel $0x88, $3  }
0x1: {  	(tag) =	ssettag $0x0;
	lr =	simm.s32 $0x1  }
0x2: {  	[smem:$0x3F9A] =	sst lr;
	_ =	strace $0xD0000000  }
0x3: {  	_ = 	snop  }
0x4: {  	_ = 	snop  }
0x5: {  	_ = 	snop  }
0x6: {  	_ = 	snop  }
0x7: {  	_ = 	snop  }
__scs_overlays_trampoline_lowered:
0x8: {  	[smem:$0x3FA9] =	sst s0  }
0x9: {  	[smem:$0x3FAA] =	sst s1  }
0xa: {  	[smem:$0x3FAB] =	sst s2  }
0xb: {  	[smem:$0x3FAC] =	sst s3  }
0xc: {  	[smem:$0x3FAD] =	sst s4  }
0xd: {  	[smem:$0x3FAE] =	sst s5  }
0xe: {  	[smem:$0x3FAF] =	sst s6  }
0xf: {  	[smem:$0x3FB0] =	sst s7  }
0x10: {  	[smem:$0x3FB1] =	sst s8  }
0x11: {  	[smem:$0x3FB2] =	sst s9;
	s0 =	simm.s32 @!p0 $0x0  }
0x12: {  	s1 =	sld [smem:$0x3F98];
	s0 =	simm.s32 @p0 $0x1  }
0x13: {  	[smem:$0x3FB3] =	sst s0;
	s0 =	simm.s32 @!p1 $0x0  }
0x14: {  	s2 =	sld [smem:$0x3F97];
	s0 =	simm.s32 @p1 $0x1  }
0x15: {  	[smem:$0x3FB4] =	sst s0;
	s0 =	simm.s32 @!p2 $0x0  }
0x16: {  	s3 =	sld [smem:$0x3FDB];
	s0 =	simm.s32 @p2 $0x1  }
0x17: {  	s4 =	simm.s32 $0x1BF5;
	[smem:$0x3FB6] =	sst s0  }
0x18: {  	s0 =	sld [smem:$0x3F99];
	_ =	swait.ge [sflag:s4], $0x0  }
0x19: {  	s7 =	sld [smem:$0x3F9A]  }
0x1a: {  	s8 =	sadd.s32 $0xFFFFE003, lr  }
0x1b: {  	s9 =	sadd.s32 $0xFFFFFEF7, lr;
	s5 =	simm.s32 $0xFFFFFFFF;
	p2 =	slt.u32 s8, $0xFFFFF086  }
0x1c: {  	p1 =	slt.u32 s9, $0xF7A;
	s5 =	simm.s32 @!p2 $0x0  }
0x1d: {  	s5 =	simm.s32 @p1 $0x1;
	p0 =	seq.s32 s7, s2  }
0x1e: {  	s7 =	smul.u32 @!p0 $0xF7A, s2;
	p2 =	seq.s32 @!p0 s5, $0x0  }
0x1f: {  	s9 =	smul.u32 $0xF7A, s1;
	s8 =	simm.s32 @!p0 $0x1BF5;
	p2 =	por !p2, p0  }
0x20: {  	[sflag:s8] =	ssyncset.s32 @!p0 $0xFFFFF086;
	s6 =	sadd.s32 @!p0 s3, s7;
	s7 =	simm.s32 @!p0 $0x108  }
0x21: {  	s3 =	sadd.s32 s3, s9;
	s6 =	sadd.s32 @!p0 $0x88, s6;
	s7 =	simm.s32 @p2 $0x1082  }
0x22: {  	[simem:s7], [sflag:s8] =	dma.local @!p0 [hbm:s6], $0xF7A  }
0x23: {  	s9 =	sor.u32 $0xD0000000, s2;
	s6 =	simm.s32 $0x108;
	_ =	swait.ge @!p0 [sflag:s8], $0x0  }
0x24: {  	s3 =	sadd.s32 $0x88, s3;
	s6 =	simm.s32 @!p1 $0x1082;
	[sflag:s4] =	ssyncset.s32 $0xFFFFF086  }
0x25: {  	[simem:s6], [sflag:s4] =	dma.local [hbm:s3], $0xF7A  }
0x26: {  	[smem:$0x3F9A] =	sst s1;
	(tag) =	ssettag s2;
	_ =	strace s9  }
0x27: {  	s1 =	sld [smem:$0x3FAA]  }
0x28: {  	s2 =	sld [smem:$0x3FAB]  }
0x29: {  	s4 =	sld [smem:$0x3FAD]  }
0x2a: {  	p0 =	seq.s32 s5, $0x0;
	s5 =	sld [smem:$0x3FAE]  }
0x2b: {  	s6 =	sld [smem:$0x3FAF]  }
0x2c: {  	s7 =	sld [smem:$0x3FB0]  }
0x2d: {  	s3 =	simm.s32 $0x108;
	s8 =	sld [smem:$0x3FB1]  }
0x2e: {  	s3 =	simm.s32 @!p0 $0x1082;
	s9 =	sld [smem:$0x3FB2]  }
0x2f: {  	lr =	sadd.s32 s0, s3;
	s0 =	sld [smem:$0x3FA9]  }
0x30: {  	s3 =	sld [smem:$0x3FAC]  }
0x31: {  	[smem:$0x3FB5] =	sst s10  }
0x32: {  	s10 =	sld [smem:$0x3FB3];
	_ =	sdelay $0x3  }
0x33: {  	p0 =	seq.s32 s10, $0x1;
	s10 =	sld [smem:$0x3FB5];
	_ =	sdelay $0x3  }
0x34: {  	[smem:$0x3FB5] =	sst s10  }
0x35: {  	s10 =	sld [smem:$0x3FB4];
	_ =	sdelay $0x3  }
0x36: {  	p1 =	seq.s32 s10, $0x1;
	s10 =	sld [smem:$0x3FB5];
	_ =	sdelay $0x3  }
0x37: {  	[smem:$0x3FB5] =	sst s10  }
0x38: {  	s10 =	sld [smem:$0x3FB6]  }
0x39: {  	_ = 	snop;
	(pc) =	sbr.ind lr, $3  }
0x3a: {  	_ = 	snop  }
0x3b: {  	_ = 	snop  }
0x3c: {  	p2 =	seq.s32 s10, $0x1;
	s10 =	sld [smem:$0x3FB5]  }
0x3d: {  	_ =	shalt  }
0x3e: {  	_ =	shalt  }
0x3f: {  	_ =	shalt  }
0x40: {  	_ =	shalt  }
0x41: {  	_ =	shalt  }
0x42: {  	_ =	shalt  }
0x43: {  	_ =	shalt  }
0x44: {  	_ =	shalt  }
0x45: {  	_ =	shalt  }
0x46: {  	_ =	shalt  }
0x47: {  	_ =	shalt  }
0x48: {  	_ =	shalt  }
0x49: {  	_ =	shalt  }
0x4a: {  	_ =	shalt  }
0x4b: {  	_ =	shalt  }
0x4c: {  	_ =	shalt  }
0x4d: {  	_ =	shalt  }
0x4e: {  	_ =	shalt  }
0x4f: {  	_ =	shalt  }
0x50: {  	_ =	shalt  }
0x51: {  	_ =	shalt  }
0x52: {  	_ =	shalt  }
0x53: {  	_ =	shalt  }
0x54: {  	_ =	shalt  }
0x55: {  	_ =	shalt  }
0x56: {  	_ =	shalt  }
0x57: {  	_ =	shalt  }
0x58: {  	_ =	shalt  }
0x59: {  	_ =	shalt  }
0x5a: {  	_ =	shalt  }
0x5b: {  	_ =	shalt  }
0x5c: {  	_ =	shalt  }
0x5d: {  	_ =	shalt  }
0x5e: {  	_ =	shalt  }
0x5f: {  	_ =	shalt  }
0x60: {  	_ =	shalt  }
0x61: {  	_ =	shalt  }
0x62: {  	_ =	shalt  }
0x63: {  	_ =	shalt  }
0x64: {  	_ =	shalt  }
0x65: {  	_ =	shalt  }
0x66: {  	_ =	shalt  }
0x67: {  	_ =	shalt  }
0x68: {  	_ =	shalt  }
0x69: {  	_ =	shalt  }
0x6a: {  	_ =	shalt  }
0x6b: {  	_ =	shalt  }
0x6c: {  	_ =	shalt  }
0x6d: {  	_ =	shalt  }
0x6e: {  	_ =	shalt  }
0x6f: {  	_ =	shalt  }
0x70: {  	_ =	shalt  }
0x71: {  	_ =	shalt  }
0x72: {  	_ =	shalt  }
0x73: {  	_ =	shalt  }
0x74: {  	_ =	shalt  }
0x75: {  	_ =	shalt  }
0x76: {  	_ =	shalt  }
0x77: {  	_ =	shalt  }
0x78: {  	_ =	shalt  }
0x79: {  	_ =	shalt  }
0x7a: {  	_ =	shalt  }
0x7b: {  	_ =	shalt  }
0x7c: {  	_ =	shalt  }
0x7d: {  	_ =	shalt  }
0x7e: {  	_ =	shalt  }
0x7f: {  	_ =	shalt  }
0x80: {  	_ =	shalt  }
0x81: {  	_ =	shalt  }
0x82: {  	_ =	shalt  }
0x83: {  	_ =	shalt  }
0x84: {  	_ =	shalt  }
0x85: {  	_ =	shalt  }
0x86: {  	_ =	shalt  }
0x87: {  	_ =	shalt  }
.Lfunc_end0:
.L_simem_size_0:
called_computation_lowered:
.L_overlay_start_0:
0x88: {  	s2 =	sld [smem:$0x3FD9]  }
0x89: {  	s3 =	sld [smem:$0x3FFE];
	_ =	sdelay $0x1  }
0x8a: {  	s1 =	srdreg.scid  }
0x8b: {  	s0 =	sand.u32 $0x1, s1  }
0x8c: {  	s17 =	sshll.u32 s0, $0xA;
	s2 =	sadd.s32 s3, s2  }
0x8d: {  	s2 =	sadd.s32 s2, s17  }
0x8e: {  	[smem:$0x3FC1] =	sst s2  }
0x8f: {  	_ = 	snop  }
0x90: {  	s2 =	sld [smem:$0x3FC9]  }
0x91: {  	s18 =	sld [smem:$0x3FC8]  }
0x92: {  	s4 =	sld [smem:$0x3FC5]  }
0x93: {  	s5 =	sld [smem:$0x3FC4]  }
0x94: {  	s6 =	sld [smem:$0x3FC3]  }
0x95: {  	s7 =	sld [smem:$0x3FD0];
	(tm) =	ssettm $0x1  }
0x96: {  	s8 =	sld [smem:$0x3FFB];
	_ =	sdelay $0x3  }
0x97: {  	_ =	strace s8  }
0x98: {  	s8 =	sld [smem:$0x3FFC];
	_ =	sdelay $0x3  }
0x99: {  	_ =	strace s8  }
0x9a: {  	s8 =	sld [smem:$0x3FFD];
	_ =	sdelay $0x3  }
0x9b: {  	_ =	strace s8  }
0x9c: {  	_ =	strace $0x8FFFFFFF  }
0x9d: {  	s19 =	sld [smem:$0x3FDB];
	_ =	sdelay $0x1  }
0x9e: {  	s9 =	simm.s32 $_scs_section_size  }
0x9f: {  	s10 =	simm.s32 $_size__tile_overlayer_lowered;
	s11 =	simm.s32 $_tile_overlayer_lowered  }
0xa0: {  	s22 =	simm.s32 $0x1BFF;
	s21 =	sshll.u32 s11, $0x1;
	s8 =	sadd.s32 s9, s19  }
0xa1: {  	s12 =	simm.s32 $0x0;
	s20 =	sshll.u32 s10, $0x1;
	s10 =	sadd.s32 s21, s8  }
0xa2: {  	[timem:s12], [sflag:s22] =	dma.local [hbm:s10], s20  }
0xa3: {  	_ =	swait.ge [sflag:s22], s20  }
0xa4: {  	s9 =	ssub.s32 $0x0, s20;
	[sflag:s22] =	ssyncset.done $0x0  }
0xa5: {  	[sflag:s22] =	ssyncadd.s32 s9;
	_ =	sdelay $0x1  }
0xa6: {  	s23 =	simm.s32 $0x1B8B  }
0xa7: {  	_ =	swait.ge [sflag:s23], $0x1  }
0xa8: {  	[sflag:s23] =	ssyncset.done $0x0  }
0xa9: {  	s25 =	simm.s32 $0x1B8E;
	s24 =	sld [smem:$0x3FFE];
	[sflag:s23] =	ssyncadd.s32 $0xFFFFFFFF  }
0xaa: {  	s26 =	simm.s32 $execute0_lowered;
	[smem:$0x3FD2] =	sst s25  }
0xab: {  	s10 =	sshll.u32 s26, $0x1;
	_ =	strace $0x80000046;
	[dreg:$0x1] =	wrdreg $0xFFFFFFFF  }
0xac: {  	s28 =	simm.s32 $_size_execute0_lowered;
	s8 =	sadd.s32 s8, s10;
	[dreg:$0x0] =	wrdreg $0x0  }
0xad: {  	s10 =	sshll.u32 s28, $0x1;
	[dreg:$0x2] =	wrdreg s8  }
0xae: {  	[dreg:$0x3] =	wrdreg s10  }
0xaf: {  	[dreg:$0x4] =	wrdreg $0xC0  }
0xb0: {  	_ =	task [dreg:s12], $0x5FFFF  }
0xb1: {  	[dreg:$0x1] =	wrdreg $0xFFFFFFFF  }
0xb2: {  	[dreg:$0x0] =	wrdreg $0x60  }
0xb3: {  	[dreg:$0x2] =	wrdreg s2  }
0xb4: {  	[dreg:$0x3] =	wrdreg s18  }
0xb5: {  	[dreg:$0x4] =	wrdreg s24  }
0xb6: {  	[dreg:$0x5] =	wrdreg s4  }
0xb7: {  	[dreg:$0x6] =	wrdreg s5  }
0xb8: {  	[dreg:$0x7] =	wrdreg s6  }
0xb9: {  	[dreg:$0x8] =	wrdreg s7  }
0xba: {  	[dreg:$0x9] =	wrdreg $0x9  }
0xbb: {  	_ =	task.clear_ibuf [dreg:s12], $0xAFFFF;
	_ =	strace $0x90000046  }
0xbc: {  	s29 =	simm.s32 $0x9;
	_ =	strace $0x80000048  }
0xbd: {  	_ =	swait.ge [sflag:s29], $0x1  }
0xbe: {  	[sflag:s29] =	ssyncadd.s32 $0xFFFFFFFF  }
0xbf: {  	_ =	strace $0x90000048  }
0xc0: {  	_ =	sfence  }
0xc1: {  	s30 =	sld [smem:$0x0];
	_ =	sdelay $0x2  }
0xc2: {  	s31 =	sshll.u32 s1, $0xD;
	s1 =	sshrl.u32 s1, $0x2  }
0xc3: {  	s3 =	sand.u32 $0x4000, s31;
	s1 =	sadd.s32 s1, s30  }
0xc4: {  	s0 =	sor.u32 s3, s0;
	s1 =	sshll.u32 s1, $0x11  }
0xc5: {  	s0 =	sor.u32 s1, s0  }
0xc6: {  	s0 =	sadd.s32 $0x8F2B, s0  }
0xc7: {  	[sflag:s0] =	ssyncadd.remote.s32 $0x1  }
0xc8: {  	_ =	sfence.sel $0xFFFF  }
0xc9: {  	[dreg:$0x0] =	wrdreg $0xFFFFFFFF;
	(pc) =	sbr.abs _section_cstart, $3  }
0xca: {  	[dreg:$0x1] =	wrdreg $0xFFFFFFFF  }
0xcb: {  	_ =	task.clear_ibuf [dreg:s12], $0x2FFFF;
	_ =	strace $0x9FFFFFFF  }
0xcc: {  	(tm) =	ssettm $0x7FFFFFFF  }
0xcd: {  	_ =	shalt  }
tec
execute0_lowered:
.L_overlay_start_1:
0x0: {  	(tag) =	ssettag $0x1  }
0x1: {  	s0 =	rddreg [dreg:$0x0]  }
0x2: {  	s3 =	rddreg [dreg:$0x1]  }
0x3: {  	s5 =	rddreg [dreg:$0x2]  }
0x4: {  	s1 =	rddreg [dreg:$0x3]  }
0x5: {  	s2 =	rddreg [dreg:$0x4]  }
0x6: {  	s10 =	rddreg [dreg:$0x6]  }
0x7: {  	s4 =	simm.s32 $0x0;
	s6 =	srdreg.scid;
	s11 =	stileid.u32  }
0x8: {  	s13 =	simm.s32 $0x200;
	s15 =	simm.s32 $0x80;
	s16 =	simm.s32 $0x400  }
0x9: {  	s17 =	simm.s32 $0x4400;
	s19 =	simm.s32 $0x280;
	s23 =	simm.s32 $0x100  }
0xa: {  	s25 =	simm.s32 $0x300;
	s29 =	simm.s32 $0x8700;
	s30 =	simm.s32 $0x180  }
0xb: {  	s31 =	simm.s32 $0x3400;
	s14 =	simm.s32 $0x8780;
	s18 =	simm.s32 $0x1  }
0xc: {  	s20 =	simm.s32 $0x8810;
	s21 =	simm.s32 $0x0;
	[smem:$0x7FF] =	sst s4  }
0xd: {  	s7 =	sand.u32 $0x1, s6;
	s6 =	sadd.s32 $0xF42800, s5;
	s11 =	sshll.u32 s11, $0x7  }
0xe: {  	_ =	strace $0x80000047;
	s8 =	ssub.s32 $0x2, s7;
	s12 =	sshll.u32 s7, $0x6  }
0xf: {  	s7 =	sadd.s32 $0x1313200, s5;
	s5 =	simm.s32 $0x7400;
	s9 =	sshrl.u32 s8, $0x1  }
0x10: {  	s11 =	sor.u32 s12, s11;
	s12 =	simm.s32 $0x2;
	s28 =	ssub.s32 s8, s9  }
0x11: {  	v0 =	vlaneseq.u32;
	s8 =	sadd.s32 s0, s11;
	s9 =	sadd.s32 s3, s11;
	s10 =	sadd.s32 s10, s11  }
0x12: {  	v0 =	vmul.u32 $0x20, v0;
	s0 =	simm.s32 $0x380;
	s3 =	simm.s32 $0x8580;
	s11 =	smax.u32 s28, $0x1  }
.LBB2_1:
0x13: {  	[tilespmem:s4], [sflag:$0x2] =	stream.linear.gather [hbm4b:s8+s4], $0x200, $0x38;
	[tilespmem:$0x8A10] =	vst v63  }
0x14: {  	_ =	swait.ge [sflag:s12], $0x200  }
0x15: {  	[sflag:s12] =	ssyncset.done $0x0  }
0x16: {  	[sflag:s12] =	ssyncadd.s32 $0xFFFFFE00  }
0x17: {  	[tilespmem:s13], [sflag:$0x2] =	stream.linear.gather [hbm4b:s9+s4], $0x200, $0x38;
	[tilespmem:$0x8A10] =	vst v63  }
0x18: {  	_ =	swait.ge [sflag:s12], $0x200  }
0x19: {  	[sflag:s12] =	ssyncset.done $0x0  }
0x1a: {  	[sflag:s12] =	ssyncadd.s32 $0xFFFFFE00  }
0x1b: {  	s24 =	simm.s32 $0x8800;
	s22 =	rddreg [dreg:$0x5]  }
0x1c: {  	[tilespmem:s24], [sflag:$0x2] =	stream.linear.gather [hbm4b:s22+s4], $0x10, $0x38;
	[tilespmem:$0x8A10] =	vst v63  }
0x1d: {  	_ =	swait.ge [sflag:s12], $0x10  }
0x1e: {  	[sflag:s12] =	ssyncset.done $0x0  }
0x1f: {  	[sflag:s12] =	ssyncadd.s32 $0xFFFFFFF0  }
0x20: {  	[tilespmem:s16], [sflag:$0x1] =	stream.indirect.gather [hbm4b:s6+s15], $0x20, s4, s15, $0xb8;
	[tilespmem:$0x8A10] =	vst v63  }
0x21: {  	_ = 	snop  }
0x22: {  	[tilespmem:s17], [sflag:$0x1] =	stream.indirect.gather [hbm4b:s7+s15], $0x20, s13, s15, $0xb8;
	[tilespmem:$0x8A10] =	vst v63  }
0x23: {  	s22 =	simm.s32 $0x8400  }
0x24: {  	[tilespmem:s22], [sflag:$0x1] =	stream.indirect.gather [hbm4b:s1+s15], $0x1, s4, s15, $0xb8;
	[tilespmem:$0x8A10] =	vst v63  }
0x25: {  	s24 =	simm.s32 $0x8600  }
0x26: {  	[tilespmem:s24], [sflag:$0x1] =	stream.indirect.gather [hbm4b:s2+s15], $0x1, s13, s15, $0xb8;
	[tilespmem:$0x8A10] =	vst v63  }
0x27: {  	s26 =	simm.s32 $0x1400  }
0x28: {  	[tilespmem:s26], [sflag:$0x1] =	stream.indirect.gather [hbm4b:s6+s15], $0x20, s15, s15, $0xb8;
	[tilespmem:$0x8A10] =	vst v63  }
0x29: {  	s26 =	simm.s32 $0x5400  }
0x2a: {  	[tilespmem:s26], [sflag:$0x1] =	stream.indirect.gather [hbm4b:s7+s15], $0x20, s19, s15, $0xb8;
	[tilespmem:$0x8A10] =	vst v63  }
0x2b: {  	s26 =	simm.s32 $0x8480  }
0x2c: {  	[tilespmem:s26], [sflag:$0x1] =	stream.indirect.gather [hbm4b:s1+s15], $0x1, s15, s15, $0xb8;
	[tilespmem:$0x8A10] =	vst v63  }
0x2d: {  	s26 =	simm.s32 $0x8680  }
0x2e: {  	[tilespmem:s26], [sflag:$0x1] =	stream.indirect.gather [hbm4b:s2+s15], $0x1, s19, s15, $0xb8;
	[tilespmem:$0x8A10] =	vst v63  }
0x2f: {  	s26 =	simm.s32 $0x2400  }
0x30: {  	[tilespmem:s26], [sflag:$0x1] =	stream.indirect.gather [hbm4b:s6+s15], $0x20, s23, s15, $0xb8;
	[tilespmem:$0x8A10] =	vst v63  }
0x31: {  	s26 =	simm.s32 $0x6400  }
0x32: {  	[tilespmem:s26], [sflag:$0x1] =	stream.indirect.gather [hbm4b:s7+s15], $0x20, s25, s15, $0xb8;
	[tilespmem:$0x8A10] =	vst v63  }
0x33: {  	s26 =	simm.s32 $0x8500  }
0x34: {  	[tilespmem:s26], [sflag:$0x1] =	stream.indirect.gather [hbm4b:s1+s15], $0x1, s23, s15, $0xb8;
	[tilespmem:$0x8A10] =	vst v63  }
0x35: {  	_ = 	snop  }
0x36: {  	[tilespmem:s29], [sflag:$0x1] =	stream.indirect.gather [hbm4b:s2+s15], $0x1, s25, s15, $0xb8;
	[tilespmem:$0x8A10] =	vst v63  }
0x37: {  	_ = 	snop  }
0x38: {  	[tilespmem:s31], [sflag:$0x1] =	stream.indirect.gather [hbm4b:s6+s15], $0x20, s30, s15, $0xb8;
	[tilespmem:$0x8A10] =	vst v63  }
0x39: {  	_ = 	snop  }
0x3a: {  	[tilespmem:s5], [sflag:$0x1] =	stream.indirect.gather [hbm4b:s7+s15], $0x20, s0, s15, $0xb8;
	[tilespmem:$0x8A10] =	vst v63  }
0x3b: {  	_ = 	snop  }
0x3c: {  	[tilespmem:s3], [sflag:$0x1] =	stream.indirect.gather [hbm4b:s1+s15], $0x1, s30, s15, $0xb8;
	[tilespmem:$0x8A10] =	vst v63  }
0x3d: {  	_ = 	snop  }
0x3e: {  	[tilespmem:s14], [sflag:$0x1] =	stream.indirect.gather [hbm4b:s2+s15], $0x1, s0, s15, $0xb8;
	[tilespmem:$0x8A10] =	vst v63  }
0x3f: {  	_ =	swait.ge [sflag:s18], $0x1000  }
0x40: {  	[sflag:s18] =	ssyncset.done $0x0  }
0x41: {  	[sflag:s18] =	ssyncadd.s32 $0xFFFFF000  }
0x42: {  	_ =	swait.ge [sflag:s18], $0x1000  }
0x43: {  	[sflag:s18] =	ssyncset.done $0x0  }
0x44: {  	[sflag:s18] =	ssyncadd.s32 $0xFFFFF000  }
0x45: {  	_ =	swait.ge [sflag:s18], $0x80  }
0x46: {  	[sflag:s18] =	ssyncset.done $0x0  }
0x47: {  	[sflag:s18] =	ssyncadd.s32 $0xFFFFFF80  }
0x48: {  	_ =	swait.ge [sflag:s18], $0x80  }
0x49: {  	[sflag:s18] =	ssyncset.done $0x0  }
0x4a: {  	[sflag:s18] =	ssyncadd.s32 $0xFFFFFF80  }
0x4b: {  	_ =	swait.ge [sflag:s18], $0x1000  }
0x4c: {  	[sflag:s18] =	ssyncset.done $0x0  }
0x4d: {  	[sflag:s18] =	ssyncadd.s32 $0xFFFFF000  }
0x4e: {  	_ =	swait.ge [sflag:s18], $0x1000  }
0x4f: {  	[sflag:s18] =	ssyncset.done $0x0  }
0x50: {  	[sflag:s18] =	ssyncadd.s32 $0xFFFFF000  }
0x51: {  	_ =	swait.ge [sflag:s18], $0x80  }
0x52: {  	[sflag:s18] =	ssyncset.done $0x0  }
0x53: {  	[sflag:s18] =	ssyncadd.s32 $0xFFFFFF80  }
0x54: {  	_ =	swait.ge [sflag:s18], $0x80  }
0x55: {  	[sflag:s18] =	ssyncset.done $0x0  }
0x56: {  	[sflag:s18] =	ssyncadd.s32 $0xFFFFFF80  }
0x57: {  	_ =	swait.ge [sflag:s18], $0x1000  }
0x58: {  	[sflag:s18] =	ssyncset.done $0x0  }
0x59: {  	[sflag:s18] =	ssyncadd.s32 $0xFFFFF000  }
0x5a: {  	_ =	swait.ge [sflag:s18], $0x1000  }
0x5b: {  	[sflag:s18] =	ssyncset.done $0x0  }
0x5c: {  	[sflag:s18] =	ssyncadd.s32 $0xFFFFF000  }
0x5d: {  	_ =	swait.ge [sflag:s18], $0x80  }
0x5e: {  	[sflag:s18] =	ssyncset.done $0x0  }
0x5f: {  	[sflag:s18] =	ssyncadd.s32 $0xFFFFFF80  }
0x60: {  	_ =	swait.ge [sflag:s18], $0x80  }
0x61: {  	[sflag:s18] =	ssyncset.done $0x0  }
0x62: {  	[sflag:s18] =	ssyncadd.s32 $0xFFFFFF80  }
0x63: {  	_ =	swait.ge [sflag:s18], $0x1000  }
0x64: {  	[sflag:s18] =	ssyncset.done $0x0  }
0x65: {  	[sflag:s18] =	ssyncadd.s32 $0xFFFFF000  }
0x66: {  	_ =	swait.ge [sflag:s18], $0x1000  }
0x67: {  	[sflag:s18] =	ssyncset.done $0x0  }
0x68: {  	[sflag:s18] =	ssyncadd.s32 $0xFFFFF000  }
0x69: {  	_ =	swait.ge [sflag:s18], $0x80  }
0x6a: {  	[sflag:s18] =	ssyncset.done $0x0  }
0x6b: {  	v1 =	vmov s4;
	[sflag:s18] =	ssyncadd.s32 $0xFFFFFF80  }
0x6c: {  	v1 =	vshll.u32 v1, $0x5;
	_ =	swait.ge [sflag:s18], $0x80  }
0x6d: {  	v2 =	vor.u32 v0, v1;
	[sflag:s18] =	ssyncset.done $0x0  }
0x6e: {  	[sflag:s18] =	ssyncadd.s32 $0xFFFFFF80  }
0x6f: {  	v3 =	vor.u32 $0x1, v2;
	v1 =	vld [tilespmem:$0x8800]  }
0x70: {  	v4 =	vld [tilespmem:s24+$0x0]  }
0x71: {  	v5 =	vor.u32 $0x2, v2;
	v6 =	vld [tilespmem:s22+$0x0]  }
0x72: {  	v7 =	vld.idx.msk [tilespmem:v2+s16+$0x0], $0xffff  }
0x73: {  	v9 =	vor.u32 $0x3, v2;
	v8 =	vld.idx.msk [tilespmem:v2+s17+$0x0], $0xffff  }
0x74: {  	v10 =	vld.idx.msk [tilespmem:v3+s16+$0x0], $0xffff  }
0x75: {  	v11 =	vor.u32 $0x4, v2;
	v3 =	vld.idx.msk [tilespmem:v3+s17+$0x0], $0xffff  }
0x76: {  	v12 =	vld.idx.msk [tilespmem:v5+s16+$0x0], $0xffff;
	v4 =	vadd.f32 v4, v6  }
0x77: {  	v5 =	vld.idx.msk [tilespmem:v5+s17+$0x0], $0xffff;
	v6 =	vor.u32 $0x5, v2  }
0x78: {  	v13 =	vld.idx.msk [tilespmem:v9+s16+$0x0], $0xffff;
	v7 =	vmul.f32 v8, v7;
	v4 =	vadd.f32 v4, v1  }
0x79: {  	v48 =	vor.u32 $0x6, v2;
	v47 =	vld.idx.msk [tilespmem:v9+s17+$0x0], $0xffff  }
0x7a: {  	v14 =	vld.idx.msk [tilespmem:v11+s16+$0x0], $0xffff;
	v3 =	vmul.f32 v3, v10;
	v4 =	vadd.f32 v7, v4  }
0x7b: {  	v49 =	vor.u32 $0x7, v2;
	v7 =	vld.idx.msk [tilespmem:v11+s17+$0x0], $0xffff  }
0x7c: {  	v50 =	vld.idx.msk [tilespmem:v6+s16+$0x0], $0xffff;
	v3 =	vadd.f32 v3, v4;
	v4 =	vmul.f32 v5, v12  }
0x7d: {  	v5 =	vld.idx.msk [tilespmem:v6+s17+$0x0], $0xffff;
	v6 =	vor.u32 $0x8, v2  }
0x7e: {  	v51 =	vld.idx.msk [tilespmem:v48+s16+$0x0], $0xffff;
	v3 =	vadd.f32 v4, v3;
	v4 =	vmul.f32 v47, v13  }
0x7f: {  	v53 =	vor.u32 $0x9, v2;
	v52 =	vld.idx.msk [tilespmem:v48+s17+$0x0], $0xffff  }
0x80: {  	v54 =	vld.idx.msk [tilespmem:v49+s16+$0x0], $0xffff;
	v3 =	vadd.f32 v4, v3;
	v4 =	vmul.f32 v7, v14  }
0x81: {  	v55 =	vor.u32 $0xA, v2;
	v7 =	vld.idx.msk [tilespmem:v49+s17+$0x0], $0xffff  }
0x82: {  	v56 =	vld.idx.msk [tilespmem:v6+s16+$0x0], $0xffff;
	v3 =	vadd.f32 v4, v3;
	v4 =	vmul.f32 v5, v50  }
0x83: {  	v5 =	vld.idx.msk [tilespmem:v6+s17+$0x0], $0xffff;
	v6 =	vor.u32 $0xB, v2  }
0x84: {  	v57 =	vld.idx.msk [tilespmem:v53+s16+$0x0], $0xffff;
	v3 =	vadd.f32 v4, v3;
	v4 =	vmul.f32 v52, v51  }
0x85: {  	v59 =	vor.u32 $0xC, v2;
	v58 =	vld.idx.msk [tilespmem:v53+s17+$0x0], $0xffff  }
0x86: {  	v60 =	vld.idx.msk [tilespmem:v55+s16+$0x0], $0xffff;
	v3 =	vadd.f32 v4, v3;
	v4 =	vmul.f32 v7, v54  }
0x87: {  	v61 =	vor.u32 $0xD, v2;
	v7 =	vld.idx.msk [tilespmem:v55+s17+$0x0], $0xffff  }
0x88: {  	v62 =	vld.idx.msk [tilespmem:v6+s16+$0x0], $0xffff;
	v3 =	vadd.f32 v4, v3;
	v4 =	vmul.f32 v5, v56  }
0x89: {  	v5 =	vld.idx.msk [tilespmem:v6+s17+$0x0], $0xffff;
	v6 =	vor.u32 $0xE, v2  }
0x8a: {  	v63 =	vld.idx.msk [tilespmem:v59+s16+$0x0], $0xffff;
	v3 =	vadd.f32 v4, v3;
	v4 =	vmul.f32 v58, v57  }
0x8b: {  	v17 =	vor.u32 $0xF, v2;
	v16 =	vld.idx.msk [tilespmem:v59+s17+$0x0], $0xffff  }
0x8c: {  	v18 =	vld.idx.msk [tilespmem:v61+s16+$0x0], $0xffff;
	v3 =	vadd.f32 v4, v3;
	v4 =	vmul.f32 v7, v60  }
0x8d: {  	v19 =	vor.u32 $0x10, v2;
	v7 =	vld.idx.msk [tilespmem:v61+s17+$0x0], $0xffff  }
0x8e: {  	v20 =	vld.idx.msk [tilespmem:v6+s16+$0x0], $0xffff;
	v3 =	vadd.f32 v4, v3;
	v4 =	vmul.f32 v5, v62  }
0x8f: {  	v5 =	vld.idx.msk [tilespmem:v6+s17+$0x0], $0xffff;
	v6 =	vor.u32 $0x11, v2  }
0x90: {  	v21 =	vld.idx.msk [tilespmem:v17+s16+$0x0], $0xffff;
	v3 =	vadd.f32 v4, v3;
	v4 =	vmul.f32 v16, v63  }
0x91: {  	v23 =	vor.u32 $0x12, v2;
	v22 =	vld.idx.msk [tilespmem:v17+s17+$0x0], $0xffff  }
0x92: {  	v24 =	vld.idx.msk [tilespmem:v19+s16+$0x0], $0xffff;
	v3 =	vadd.f32 v4, v3;
	v4 =	vmul.f32 v7, v18  }
0x93: {  	v25 =	vor.u32 $0x13, v2;
	v7 =	vld.idx.msk [tilespmem:v19+s17+$0x0], $0xffff  }
0x94: {  	v26 =	vld.idx.msk [tilespmem:v6+s16+$0x0], $0xffff;
	v3 =	vadd.f32 v4, v3;
	v4 =	vmul.f32 v5, v20  }
0x95: {  	v5 =	vld.idx.msk [tilespmem:v6+s17+$0x0], $0xffff;
	v6 =	vor.u32 $0x14, v2  }
0x96: {  	v27 =	vld.idx.msk [tilespmem:v23+s16+$0x0], $0xffff;
	v3 =	vadd.f32 v4, v3;
	v4 =	vmul.f32 v22, v21  }
0x97: {  	v29 =	vor.u32 $0x15, v2;
	v28 =	vld.idx.msk [tilespmem:v23+s17+$0x0], $0xffff  }
0x98: {  	v30 =	vld.idx.msk [tilespmem:v25+s16+$0x0], $0xffff;
	v3 =	vadd.f32 v4, v3;
	v4 =	vmul.f32 v7, v24  }
0x99: {  	v31 =	vor.u32 $0x16, v2;
	v7 =	vld.idx.msk [tilespmem:v25+s17+$0x0], $0xffff  }
0x9a: {  	v32 =	vld.idx.msk [tilespmem:v6+s16+$0x0], $0xffff;
	v3 =	vadd.f32 v4, v3;
	v4 =	vmul.f32 v5, v26  }
0x9b: {  	v5 =	vld.idx.msk [tilespmem:v6+s17+$0x0], $0xffff;
	v6 =	vor.u32 $0x17, v2  }
0x9c: {  	v33 =	vld.idx.msk [tilespmem:v29+s16+$0x0], $0xffff;
	v3 =	vadd.f32 v4, v3;
	v4 =	vmul.f32 v28, v27  }
0x9d: {  	v35 =	vor.u32 $0x18, v2;
	v34 =	vld.idx.msk [tilespmem:v29+s17+$0x0], $0xffff  }
0x9e: {  	v36 =	vld.idx.msk [tilespmem:v31+s16+$0x0], $0xffff;
	v3 =	vadd.f32 v4, v3;
	v4 =	vmul.f32 v7, v30  }
0x9f: {  	v37 =	vor.u32 $0x19, v2;
	v7 =	vld.idx.msk [tilespmem:v31+s17+$0x0], $0xffff  }
0xa0: {  	v38 =	vld.idx.msk [tilespmem:v6+s16+$0x0], $0xffff;
	v3 =	vadd.f32 v4, v3;
	v4 =	vmul.f32 v5, v32  }
0xa1: {  	v5 =	vld.idx.msk [tilespmem:v6+s17+$0x0], $0xffff;
	v6 =	vor.u32 $0x1A, v2  }
0xa2: {  	v39 =	vld.idx.msk [tilespmem:v35+s16+$0x0], $0xffff;
	v3 =	vadd.f32 v4, v3;
	v4 =	vmul.f32 v34, v33  }
0xa3: {  	v41 =	vor.u32 $0x1B, v2;
	v40 =	vld.idx.msk [tilespmem:v35+s17+$0x0], $0xffff  }
0xa4: {  	v42 =	vld.idx.msk [tilespmem:v37+s16+$0x0], $0xffff;
	v3 =	vadd.f32 v4, v3;
	v4 =	vmul.f32 v7, v36  }
0xa5: {  	v43 =	vor.u32 $0x1C, v2;
	v7 =	vld.idx.msk [tilespmem:v37+s17+$0x0], $0xffff  }
0xa6: {  	v44 =	vld.idx.msk [tilespmem:v6+s16+$0x0], $0xffff;
	v3 =	vadd.f32 v4, v3;
	v4 =	vmul.f32 v5, v38  }
0xa7: {  	v5 =	vld.idx.msk [tilespmem:v6+s17+$0x0], $0xffff;
	v6 =	vor.u32 $0x1D, v2  }
0xa8: {  	v45 =	vld.idx.msk [tilespmem:v41+s16+$0x0], $0xffff;
	v3 =	vadd.f32 v4, v3;
	v4 =	vmul.f32 v40, v39  }
0xa9: {  	v46 =	vld.idx.msk [tilespmem:v41+s17+$0x0], $0xffff;
	v47 =	vor.u32 $0x1E, v2  }
0xaa: {  	v48 =	vld.idx.msk [tilespmem:v43+s16+$0x0], $0xffff;
	v3 =	vadd.f32 v4, v3;
	v4 =	vmul.f32 v7, v42  }
0xab: {  	v2 =	vor.u32 $0x1F, v2;
	v7 =	vld.idx.msk [tilespmem:v43+s17+$0x0], $0xffff  }
0xac: {  	v49 =	vld.idx.msk [tilespmem:v6+s16+$0x0], $0xffff;
	v3 =	vadd.f32 v4, v3;
	v4 =	vmul.f32 v5, v44  }
0xad: {  	v5 =	vld.idx.msk [tilespmem:v6+s17+$0x0], $0xffff  }
0xae: {  	v50 =	vld.idx.msk [tilespmem:v47+s17+$0x0], $0xffff;
	v3 =	vadd.f32 v4, v3;
	v4 =	vmul.f32 v46, v45  }
0xaf: {  	v6 =	vld.idx.msk [tilespmem:v47+s16+$0x0], $0xffff  }
0xb0: {  	v51 =	vld.idx.msk [tilespmem:v2+s16+$0x0], $0xffff;
	v3 =	vadd.f32 v4, v3;
	v4 =	vmul.f32 v7, v48  }
0xb1: {  	v2 =	vld.idx.msk [tilespmem:v2+s17+$0x0], $0xffff  }
0xb2: {  	v3 =	vadd.f32 v4, v3;
	v4 =	vmul.f32 v5, v49;
	_ =	sdelay $0x1  }
0xb3: {  	v3 =	vadd.f32 v4, v3;
	v4 =	vmul.f32 v50, v6  }
0xb4: {  	s26 =	simm.s32 $0x10  }
0xb5: {  	v5 =	vmov s26;
	v3 =	vadd.f32 v4, v3;
	v4 =	vmul.f32 v2, v51  }
0xb6: {  	v2 =	vshll.u32 v5, $0x5  }
0xb7: {  	v2 =	vor.u32 v0, v2;
	v3 =	vadd.f32 v4, v3;
	_ =	sdelay $0x1  }
0xb8: {  	s22 =	simm.s32 $0x8610;
	v4 =	vor.u32 $0x1, v2;
	[tilespmem:s20+$0x0] =	vst v3  }
0xb9: {  	s24 =	simm.s32 $0x8410;
	v3 =	vld [tilespmem:s22+$0x0]  }
0xba: {  	v5 =	vor.u32 $0x2, v2;
	v6 =	vld [tilespmem:s24+$0x0]  }
0xbb: {  	v7 =	vld.idx.msk [tilespmem:v2+s16+$0x0], $0xffff  }
0xbc: {  	v53 =	vor.u32 $0x3, v2;
	v52 =	vld.idx.msk [tilespmem:v2+s17+$0x0], $0xffff  }
0xbd: {  	v54 =	vld.idx.msk [tilespmem:v4+s16+$0x0], $0xffff  }
0xbe: {  	v55 =	vor.u32 $0x4, v2;
	v4 =	vld.idx.msk [tilespmem:v4+s17+$0x0], $0xffff  }
0xbf: {  	v56 =	vld.idx.msk [tilespmem:v5+s16+$0x0], $0xffff;
	v3 =	vadd.f32 v3, v6  }
0xc0: {  	v5 =	vld.idx.msk [tilespmem:v5+s17+$0x0], $0xffff;
	v6 =	vor.u32 $0x5, v2  }
0xc1: {  	v57 =	vld.idx.msk [tilespmem:v53+s16+$0x0], $0xffff;
	v7 =	vmul.f32 v52, v7;
	v3 =	vadd.f32 v3, v1  }
0xc2: {  	v59 =	vor.u32 $0x6, v2;
	v58 =	vld.idx.msk [tilespmem:v53+s17+$0x0], $0xffff  }
0xc3: {  	v60 =	vld.idx.msk [tilespmem:v55+s16+$0x0], $0xffff;
	v4 =	vmul.f32 v4, v54;
	v3 =	vadd.f32 v7, v3  }
0xc4: {  	v61 =	vor.u32 $0x7, v2;
	v7 =	vld.idx.msk [tilespmem:v55+s17+$0x0], $0xffff  }
0xc5: {  	v62 =	vld.idx.msk [tilespmem:v6+s16+$0x0], $0xffff;
	v3 =	vadd.f32 v4, v3;
	v4 =	vmul.f32 v5, v56  }
0xc6: {  	v5 =	vld.idx.msk [tilespmem:v6+s17+$0x0], $0xffff;
	v6 =	vor.u32 $0x8, v2  }
0xc7: {  	v63 =	vld.idx.msk [tilespmem:v59+s16+$0x0], $0xffff;
	v3 =	vadd.f32 v4, v3;
	v4 =	vmul.f32 v58, v57  }
0xc8: {  	v17 =	vor.u32 $0x9, v2;
	v16 =	vld.idx.msk [tilespmem:v59+s17+$0x0], $0xffff  }
0xc9: {  	v18 =	vld.idx.msk [tilespmem:v61+s16+$0x0], $0xffff;
	v3 =	vadd.f32 v4, v3;
	v4 =	vmul.f32 v7, v60  }
0xca: {  	v19 =	vor.u32 $0xA, v2;
	v7 =	vld.idx.msk [tilespmem:v61+s17+$0x0], $0xffff  }
0xcb: {  	v20 =	vld.idx.msk [tilespmem:v6+s16+$0x0], $0xffff;
	v3 =	vadd.f32 v4, v3;
	v4 =	vmul.f32 v5, v62  }
0xcc: {  	v5 =	vld.idx.msk [tilespmem:v6+s17+$0x0], $0xffff;
	v6 =	vor.u32 $0xB, v2  }
0xcd: {  	v21 =	vld.idx.msk [tilespmem:v17+s16+$0x0], $0xffff;
	v3 =	vadd.f32 v4, v3;
	v4 =	vmul.f32 v16, v63  }
0xce: {  	v23 =	vor.u32 $0xC, v2;
	v22 =	vld.idx.msk [tilespmem:v17+s17+$0x0], $0xffff  }
0xcf: {  	v24 =	vld.idx.msk [tilespmem:v19+s16+$0x0], $0xffff;
	v3 =	vadd.f32 v4, v3;
	v4 =	vmul.f32 v7, v18  }
0xd0: {  	v25 =	vor.u32 $0xD, v2;
	v7 =	vld.idx.msk [tilespmem:v19+s17+$0x0], $0xffff  }
0xd1: {  	v26 =	vld.idx.msk [tilespmem:v6+s16+$0x0], $0xffff;
	v3 =	vadd.f32 v4, v3;
	v4 =	vmul.f32 v5, v20  }
0xd2: {  	v5 =	vld.idx.msk [tilespmem:v6+s17+$0x0], $0xffff;
	v6 =	vor.u32 $0xE, v2  }
0xd3: {  	v27 =	vld.idx.msk [tilespmem:v23+s16+$0x0], $0xffff;
	v3 =	vadd.f32 v4, v3;
	v4 =	vmul.f32 v22, v21  }
0xd4: {  	v29 =	vor.u32 $0xF, v2;
	v28 =	vld.idx.msk [tilespmem:v23+s17+$0x0], $0xffff  }
0xd5: {  	v30 =	vld.idx.msk [tilespmem:v25+s16+$0x0], $0xffff;
	v3 =	vadd.f32 v4, v3;
	v4 =	vmul.f32 v7, v24  }
0xd6: {  	v31 =	vor.u32 $0x10, v2;
	v7 =	vld.idx.msk [tilespmem:v25+s17+$0x0], $0xffff  }
0xd7: {  	v32 =	vld.idx.msk [tilespmem:v6+s16+$0x0], $0xffff;
	v3 =	vadd.f32 v4, v3;
	v4 =	vmul.f32 v5, v26  }
0xd8: {  	v5 =	vld.idx.msk [tilespmem:v6+s17+$0x0], $0xffff;
	v6 =	vor.u32 $0x11, v2  }
0xd9: {  	v33 =	vld.idx.msk [tilespmem:v29+s16+$0x0], $0xffff;
	v3 =	vadd.f32 v4, v3;
	v4 =	vmul.f32 v28, v27  }
0xda: {  	v35 =	vor.u32 $0x12, v2;
	v34 =	vld.idx.msk [tilespmem:v29+s17+$0x0], $0xffff  }
0xdb: {  	v36 =	vld.idx.msk [tilespmem:v31+s16+$0x0], $0xffff;
	v3 =	vadd.f32 v4, v3;
	v4 =	vmul.f32 v7, v30  }
0xdc: {  	v37 =	vor.u32 $0x13, v2;
	v7 =	vld.idx.msk [tilespmem:v31+s17+$0x0], $0xffff  }
0xdd: {  	v38 =	vld.idx.msk [tilespmem:v6+s16+$0x0], $0xffff;
	v3 =	vadd.f32 v4, v3;
	v4 =	vmul.f32 v5, v32  }
0xde: {  	v5 =	vld.idx.msk [tilespmem:v6+s17+$0x0], $0xffff;
	v6 =	vor.u32 $0x14, v2  }
0xdf: {  	v39 =	vld.idx.msk [tilespmem:v35+s16+$0x0], $0xffff;
	v3 =	vadd.f32 v4, v3;
	v4 =	vmul.f32 v34, v33  }
0xe0: {  	v41 =	vor.u32 $0x15, v2;
	v40 =	vld.idx.msk [tilespmem:v35+s17+$0x0], $0xffff  }
0xe1: {  	v42 =	vld.idx.msk [tilespmem:v37+s16+$0x0], $0xffff;
	v3 =	vadd.f32 v4, v3;
	v4 =	vmul.f32 v7, v36  }
0xe2: {  	v43 =	vor.u32 $0x16, v2;
	v7 =	vld.idx.msk [tilespmem:v37+s17+$0x0], $0xffff  }
0xe3: {  	v44 =	vld.idx.msk [tilespmem:v6+s16+$0x0], $0xffff;
	v3 =	vadd.f32 v4, v3;
	v4 =	vmul.f32 v5, v38  }
0xe4: {  	v5 =	vld.idx.msk [tilespmem:v6+s17+$0x0], $0xffff;
	v6 =	vor.u32 $0x17, v2  }
0xe5: {  	v45 =	vld.idx.msk [tilespmem:v41+s16+$0x0], $0xffff;
	v3 =	vadd.f32 v4, v3;
	v4 =	vmul.f32 v40, v39  }
0xe6: {  	v47 =	vor.u32 $0x18, v2;
	v46 =	vld.idx.msk [tilespmem:v41+s17+$0x0], $0xffff  }
0xe7: {  	v48 =	vld.idx.msk [tilespmem:v43+s16+$0x0], $0xffff;
	v3 =	vadd.f32 v4, v3;
	v4 =	vmul.f32 v7, v42  }
0xe8: {  	v49 =	vor.u32 $0x19, v2;
	v7 =	vld.idx.msk [tilespmem:v43+s17+$0x0], $0xffff  }
0xe9: {  	v50 =	vld.idx.msk [tilespmem:v6+s16+$0x0], $0xffff;
	v3 =	vadd.f32 v4, v3;
	v4 =	vmul.f32 v5, v44  }
0xea: {  	v5 =	vld.idx.msk [tilespmem:v6+s17+$0x0], $0xffff;
	v6 =	vor.u32 $0x1A, v2  }
0xeb: {  	v51 =	vld.idx.msk [tilespmem:v47+s16+$0x0], $0xffff;
	v3 =	vadd.f32 v4, v3;
	v4 =	vmul.f32 v46, v45  }
0xec: {  	v53 =	vor.u32 $0x1B, v2;
	v52 =	vld.idx.msk [tilespmem:v47+s17+$0x0], $0xffff  }
0xed: {  	v54 =	vld.idx.msk [tilespmem:v49+s16+$0x0], $0xffff;
	v3 =	vadd.f32 v4, v3;
	v4 =	vmul.f32 v7, v48  }
0xee: {  	v55 =	vor.u32 $0x1C, v2;
	v7 =	vld.idx.msk [tilespmem:v49+s17+$0x0], $0xffff  }
0xef: {  	v56 =	vld.idx.msk [tilespmem:v6+s16+$0x0], $0xffff;
	v3 =	vadd.f32 v4, v3;
	v4 =	vmul.f32 v5, v50  }
0xf0: {  	v5 =	vld.idx.msk [tilespmem:v6+s17+$0x0], $0xffff;
	v6 =	vor.u32 $0x1D, v2  }
0xf1: {  	v57 =	vld.idx.msk [tilespmem:v53+s16+$0x0], $0xffff;
	v3 =	vadd.f32 v4, v3;
	v4 =	vmul.f32 v52, v51  }
0xf2: {  	v59 =	vor.u32 $0x1E, v2;
	v58 =	vld.idx.msk [tilespmem:v53+s17+$0x0], $0xffff  }
0xf3: {  	v60 =	vld.idx.msk [tilespmem:v55+s16+$0x0], $0xffff;
	v3 =	vadd.f32 v4, v3;
	v4 =	vmul.f32 v7, v54  }
0xf4: {  	v2 =	vor.u32 $0x1F, v2;
	v7 =	vld.idx.msk [tilespmem:v55+s17+$0x0], $0xffff  }
0xf5: {  	v61 =	vld.idx.msk [tilespmem:v6+s16+$0x0], $0xffff;
	v3 =	vadd.f32 v4, v3;
	v4 =	vmul.f32 v5, v56  }
0xf6: {  	v5 =	vld.idx.msk [tilespmem:v6+s17+$0x0], $0xffff  }
0xf7: {  	v62 =	vld.idx.msk [tilespmem:v59+s17+$0x0], $0xffff;
	v3 =	vadd.f32 v4, v3;
	v4 =	vmul.f32 v58, v57  }
0xf8: {  	v6 =	vld.idx.msk [tilespmem:v59+s16+$0x0], $0xffff  }
0xf9: {  	v63 =	vld.idx.msk [tilespmem:v2+s16+$0x0], $0xffff;
	v3 =	vadd.f32 v4, v3;
	v4 =	vmul.f32 v7, v60  }
0xfa: {  	v7 =	vld.idx.msk [tilespmem:v2+s17+$0x0], $0xffff  }
0xfb: {  	v2 =	vadd.f32 v4, v3;
	v3 =	vmul.f32 v5, v61;
	_ =	sdelay $0x1  }
0xfc: {  	s26 =	simm.s32 $0x20;
	v5 =	vmul.f32 v62, v6;
	v3 =	vadd.f32 v3, v2  }
0xfd: {  	v4 =	vmov s26  }
0xfe: {  	v2 =	vshll.u32 v4, $0x5;
	v4 =	vmul.f32 v7, v63;
	v3 =	vadd.f32 v5, v3  }
0xff: {  	s28 =	simm.s32 $0x30;
	s26 =	simm.s32 $0x8810;
	v2 =	vor.u32 v0, v2  }
.LBB2_2:
0x100: {  	p0 =	sne.s32 s28, $0x1F0;
	v3 =	vadd.f32 v4, v3  }
0x101: {  	s26 =	sadd.s32 $0x10, s26  }
0x102: {  	v4 =	vor.u32 $0x1, v2;
	[tilespmem:s26+$0x0] =	vst v3  }
0x103: {  	s22 =	sadd.s32 $0x10, s22;
	v3 =	vld.idx.msk [tilespmem:v2+s16+$0x0], $0xffff  }
0x104: {  	v6 =	vor.u32 $0x2, v2;
	s24 =	sadd.s32 $0x10, s24;
	v5 =	vld [tilespmem:s22+$0x0]  }
0x105: {  	v7 =	vld [tilespmem:s24+$0x0]  }
0x106: {  	v9 =	vor.u32 $0x3, v2;
	v8 =	vld.idx.msk [tilespmem:v2+s17+$0x0], $0xffff  }
0x107: {  	v10 =	vld.idx.msk [tilespmem:v4+s16+$0x0], $0xffff  }
0x108: {  	v11 =	vor.u32 $0x4, v2;
	v4 =	vld.idx.msk [tilespmem:v4+s17+$0x0], $0xffff  }
0x109: {  	v12 =	vld.idx.msk [tilespmem:v6+s16+$0x0], $0xffff  }
0x10a: {  	v5 =	vadd.f32 v5, v7;
	v6 =	vld.idx.msk [tilespmem:v6+s17+$0x0], $0xffff;
	v7 =	vor.u32 $0x5, v2  }
0x10b: {  	v13 =	vld.idx.msk [tilespmem:v9+s16+$0x0], $0xffff  }
0x10c: {  	v3 =	vmul.f32 v8, v3;
	v5 =	vadd.f32 v5, v1;
	v8 =	vld.idx.msk [tilespmem:v9+s17+$0x0], $0xffff;
	v9 =	vor.u32 $0x6, v2  }
0x10d: {  	v14 =	vld.idx.msk [tilespmem:v11+s16+$0x0], $0xffff  }
0x10e: {  	v4 =	vmul.f32 v4, v10;
	v10 =	vor.u32 $0x7, v2;
	v3 =	vadd.f32 v3, v5;
	v5 =	vld.idx.msk [tilespmem:v11+s17+$0x0], $0xffff  }
0x10f: {  	v11 =	vld.idx.msk [tilespmem:v7+s16+$0x0], $0xffff  }
0x110: {  	v3 =	vadd.f32 v4, v3;
	v4 =	vmul.f32 v6, v12;
	v6 =	vld.idx.msk [tilespmem:v7+s17+$0x0], $0xffff;
	v7 =	vor.u32 $0x8, v2  }
0x111: {  	v12 =	vld.idx.msk [tilespmem:v9+s16+$0x0], $0xffff  }
0x112: {  	v3 =	vadd.f32 v4, v3;
	v4 =	vmul.f32 v8, v13;
	v8 =	vld.idx.msk [tilespmem:v9+s17+$0x0], $0xffff;
	v9 =	vor.u32 $0x9, v2  }
0x113: {  	v13 =	vld.idx.msk [tilespmem:v10+s16+$0x0], $0xffff  }
0x114: {  	v3 =	vadd.f32 v4, v3;
	v4 =	vmul.f32 v5, v14;
	v5 =	vld.idx.msk [tilespmem:v10+s17+$0x0], $0xffff;
	v10 =	vor.u32 $0xA, v2  }
0x115: {  	v14 =	vld.idx.msk [tilespmem:v7+s16+$0x0], $0xffff  }
0x116: {  	v3 =	vadd.f32 v4, v3;
	v4 =	vmul.f32 v6, v11;
	v6 =	vld.idx.msk [tilespmem:v7+s17+$0x0], $0xffff;
	v7 =	vor.u32 $0xB, v2  }
0x117: {  	v11 =	vld.idx.msk [tilespmem:v9+s16+$0x0], $0xffff  }
0x118: {  	v3 =	vadd.f32 v4, v3;
	v4 =	vmul.f32 v8, v12;
	v8 =	vld.idx.msk [tilespmem:v9+s17+$0x0], $0xffff;
	v9 =	vor.u32 $0xC, v2  }
0x119: {  	v12 =	vld.idx.msk [tilespmem:v10+s16+$0x0], $0xffff  }
0x11a: {  	v3 =	vadd.f32 v4, v3;
	v4 =	vmul.f32 v5, v13;
	v5 =	vld.idx.msk [tilespmem:v10+s17+$0x0], $0xffff;
	v10 =	vor.u32 $0xD, v2  }
0x11b: {  	v13 =	vld.idx.msk [tilespmem:v7+s16+$0x0], $0xffff  }
0x11c: {  	v3 =	vadd.f32 v4, v3;
	v4 =	vmul.f32 v6, v14;
	v6 =	vld.idx.msk [tilespmem:v7+s17+$0x0], $0xffff;
	v7 =	vor.u32 $0xE, v2  }
0x11d: {  	v14 =	vld.idx.msk [tilespmem:v9+s16+$0x0], $0xffff  }
0x11e: {  	v3 =	vadd.f32 v4, v3;
	v4 =	vmul.f32 v8, v11;
	v8 =	vld.idx.msk [tilespmem:v9+s17+$0x0], $0xffff;
	v9 =	vor.u32 $0xF, v2  }
0x11f: {  	v11 =	vld.idx.msk [tilespmem:v10+s16+$0x0], $0xffff  }
0x120: {  	v3 =	vadd.f32 v4, v3;
	v4 =	vmul.f32 v5, v12;
	v5 =	vld.idx.msk [tilespmem:v10+s17+$0x0], $0xffff;
	v10 =	vor.u32 $0x10, v2  }
0x121: {  	v12 =	vld.idx.msk [tilespmem:v7+s16+$0x0], $0xffff  }
0x122: {  	v3 =	vadd.f32 v4, v3;
	v4 =	vmul.f32 v6, v13;
	v6 =	vld.idx.msk [tilespmem:v7+s17+$0x0], $0xffff;
	v7 =	vor.u32 $0x11, v2  }
0x123: {  	v13 =	vld.idx.msk [tilespmem:v9+s16+$0x0], $0xffff  }
0x124: {  	v3 =	vadd.f32 v4, v3;
	v4 =	vmul.f32 v8, v14;
	v8 =	vld.idx.msk [tilespmem:v9+s17+$0x0], $0xffff;
	v9 =	vor.u32 $0x12, v2  }
0x125: {  	v14 =	vld.idx.msk [tilespmem:v10+s16+$0x0], $0xffff  }
0x126: {  	v3 =	vadd.f32 v4, v3;
	v4 =	vmul.f32 v5, v11;
	v5 =	vld.idx.msk [tilespmem:v10+s17+$0x0], $0xffff;
	v10 =	vor.u32 $0x13, v2  }
0x127: {  	v11 =	vld.idx.msk [tilespmem:v7+s16+$0x0], $0xffff  }
0x128: {  	v3 =	vadd.f32 v4, v3;
	v4 =	vmul.f32 v6, v12;
	v6 =	vld.idx.msk [tilespmem:v7+s17+$0x0], $0xffff;
	v7 =	vor.u32 $0x14, v2  }
0x129: {  	v12 =	vld.idx.msk [tilespmem:v9+s16+$0x0], $0xffff  }
0x12a: {  	v3 =	vadd.f32 v4, v3;
	v4 =	vmul.f32 v8, v13;
	v8 =	vld.idx.msk [tilespmem:v9+s17+$0x0], $0xffff;
	v9 =	vor.u32 $0x15, v2  }
0x12b: {  	v13 =	vld.idx.msk [tilespmem:v10+s16+$0x0], $0xffff  }
0x12c: {  	v3 =	vadd.f32 v4, v3;
	v4 =	vmul.f32 v5, v14;
	v5 =	vld.idx.msk [tilespmem:v10+s17+$0x0], $0xffff;
	v10 =	vor.u32 $0x16, v2  }
0x12d: {  	v14 =	vld.idx.msk [tilespmem:v7+s16+$0x0], $0xffff  }
0x12e: {  	v3 =	vadd.f32 v4, v3;
	v4 =	vmul.f32 v6, v11;
	v6 =	vld.idx.msk [tilespmem:v7+s17+$0x0], $0xffff;
	v7 =	vor.u32 $0x17, v2  }
0x12f: {  	v11 =	vld.idx.msk [tilespmem:v9+s16+$0x0], $0xffff  }
0x130: {  	v3 =	vadd.f32 v4, v3;
	v4 =	vmul.f32 v8, v12;
	v8 =	vld.idx.msk [tilespmem:v9+s17+$0x0], $0xffff;
	v9 =	vor.u32 $0x18, v2  }
0x131: {  	v12 =	vld.idx.msk [tilespmem:v10+s16+$0x0], $0xffff  }
0x132: {  	v3 =	vadd.f32 v4, v3;
	v4 =	vmul.f32 v5, v13;
	v5 =	vld.idx.msk [tilespmem:v10+s17+$0x0], $0xffff;
	v10 =	vor.u32 $0x19, v2  }
0x133: {  	v13 =	vld.idx.msk [tilespmem:v7+s16+$0x0], $0xffff  }
0x134: {  	v3 =	vadd.f32 v4, v3;
	v4 =	vmul.f32 v6, v14;
	v6 =	vld.idx.msk [tilespmem:v7+s17+$0x0], $0xffff;
	v7 =	vor.u32 $0x1A, v2  }
0x135: {  	v14 =	vld.idx.msk [tilespmem:v9+s16+$0x0], $0xffff  }
0x136: {  	v3 =	vadd.f32 v4, v3;
	v4 =	vmul.f32 v8, v11;
	v8 =	vld.idx.msk [tilespmem:v9+s17+$0x0], $0xffff;
	v9 =	vor.u32 $0x1B, v2  }
0x137: {  	v11 =	vld.idx.msk [tilespmem:v10+s16+$0x0], $0xffff  }
0x138: {  	v3 =	vadd.f32 v4, v3;
	v4 =	vmul.f32 v5, v12;
	v5 =	vld.idx.msk [tilespmem:v10+s17+$0x0], $0xffff;
	v10 =	vor.u32 $0x1C, v2  }
0x139: {  	v12 =	vld.idx.msk [tilespmem:v7+s16+$0x0], $0xffff  }
0x13a: {  	v3 =	vadd.f32 v4, v3;
	v4 =	vmul.f32 v6, v13;
	v6 =	vld.idx.msk [tilespmem:v7+s17+$0x0], $0xffff;
	v7 =	vor.u32 $0x1D, v2  }
0x13b: {  	v13 =	vld.idx.msk [tilespmem:v9+s16+$0x0], $0xffff  }
0x13c: {  	v3 =	vadd.f32 v4, v3;
	v4 =	vmul.f32 v8, v14;
	v8 =	vld.idx.msk [tilespmem:v9+s17+$0x0], $0xffff;
	v9 =	vor.u32 $0x1E, v2  }
0x13d: {  	v14 =	vld.idx.msk [tilespmem:v10+s16+$0x0], $0xffff  }
0x13e: {  	v2 =	vor.u32 $0x1F, v2;
	v3 =	vadd.f32 v4, v3;
	v4 =	vmul.f32 v5, v11;
	v5 =	vld.idx.msk [tilespmem:v10+s17+$0x0], $0xffff  }
0x13f: {  	v10 =	vld.idx.msk [tilespmem:v7+s16+$0x0], $0xffff  }
0x140: {  	v3 =	vadd.f32 v4, v3;
	v4 =	vmul.f32 v6, v12;
	v6 =	vld.idx.msk [tilespmem:v7+s17+$0x0], $0xffff  }
0x141: {  	v7 =	vld.idx.msk [tilespmem:v9+s16+$0x0], $0xffff  }
0x142: {  	v3 =	vadd.f32 v4, v3;
	v4 =	vmul.f32 v8, v13;
	v8 =	vld.idx.msk [tilespmem:v9+s17+$0x0], $0xffff  }
0x143: {  	v9 =	vld.idx.msk [tilespmem:v2+s16+$0x0], $0xffff  }
0x144: {  	v3 =	vadd.f32 v4, v3;
	v4 =	vmul.f32 v5, v14;
	v5 =	vld.idx.msk [tilespmem:v2+s17+$0x0], $0xffff;
	_ =	sdelay $0x1  }
0x145: {  	v2 =	vadd.f32 v4, v3;
	v3 =	vmul.f32 v6, v10  }
.Ltmp0:
0x146: {  	(pc) =	sbr.rel @p0 .LBB2_2-.Ltmp0, $4  }
0x147: {  	v4 =	vmov s28;
	v6 =	vmul.f32 v8, v7;
	v3 =	vadd.f32 v3, v2  }
0x148: {  	v2 =	vshll.u32 v4, $0x5  }
0x149: {  	v2 =	vor.u32 v0, v2;
	v4 =	vmul.f32 v5, v9;
	v3 =	vadd.f32 v6, v3  }
0x14a: {  	s28 =	sadd.s32 $0x10, s28  }
0x14b: {  	v3 =	vadd.f32 v4, v3  }
0x14c: {  	s26 =	sadd.s32 $0x10, s26  }
0x14d: {  	v29 =	vor.u32 $0x1, v2;
	s22 =	sadd.s32 $0x10, s22;
	[tilespmem:s26+$0x0] =	vst v3  }
0x14e: {  	s24 =	sadd.s32 $0x10, s24;
	v3 =	vld [tilespmem:s22+$0x0]  }
0x14f: {  	v5 =	vor.u32 $0x2, v2;
	v6 =	vld [tilespmem:s24+$0x0]  }
0x150: {  	v7 =	vld.idx.msk [tilespmem:v2+s16+$0x0], $0xffff  }
0x151: {  	v9 =	vor.u32 $0x3, v2;
	v8 =	vld.idx.msk [tilespmem:v2+s17+$0x0], $0xffff  }
0x152: {  	v10 =	vld.idx.msk [tilespmem:v29+s16+$0x0], $0xffff  }
0x153: {  	v11 =	vor.u32 $0x4, v2;
	v4 =	vld.idx.msk [tilespmem:v29+s17+$0x0], $0xffff  }
0x154: {  	v12 =	vld.idx.msk [tilespmem:v5+s16+$0x0], $0xffff;
	v3 =	vadd.f32 v3, v6  }
0x155: {  	v30 =	vor.u32 $0x5, v2;
	v5 =	vld.idx.msk [tilespmem:v5+s17+$0x0], $0xffff  }
0x156: {  	v13 =	vld.idx.msk [tilespmem:v9+s16+$0x0], $0xffff;
	v1 =	vadd.f32 v3, v1;
	v3 =	vmul.f32 v8, v7  }
0x157: {  	v32 =	vor.u32 $0x6, v2;
	v31 =	vld.idx.msk [tilespmem:v9+s17+$0x0], $0xffff  }
0x158: {  	v33 =	vld.idx.msk [tilespmem:v11+s16+$0x0], $0xffff;
	v1 =	vadd.f32 v3, v1;
	v3 =	vmul.f32 v4, v10  }
0x159: {  	v35 =	vor.u32 $0x7, v2;
	v34 =	vld.idx.msk [tilespmem:v11+s17+$0x0], $0xffff  }
0x15a: {  	v36 =	vld.idx.msk [tilespmem:v30+s16+$0x0], $0xffff;
	v1 =	vadd.f32 v3, v1;
	v3 =	vmul.f32 v5, v12  }
0x15b: {  	v38 =	vor.u32 $0x8, v2;
	v37 =	vld.idx.msk [tilespmem:v30+s17+$0x0], $0xffff  }
0x15c: {  	v39 =	vld.idx.msk [tilespmem:v32+s16+$0x0], $0xffff;
	v1 =	vadd.f32 v3, v1;
	v3 =	vmul.f32 v31, v13  }
0x15d: {  	v41 =	vor.u32 $0x9, v2;
	v40 =	vld.idx.msk [tilespmem:v32+s17+$0x0], $0xffff  }
0x15e: {  	v42 =	vld.idx.msk [tilespmem:v35+s16+$0x0], $0xffff;
	v1 =	vadd.f32 v3, v1;
	v3 =	vmul.f32 v34, v33  }
0x15f: {  	v44 =	vor.u32 $0xA, v2;
	v43 =	vld.idx.msk [tilespmem:v35+s17+$0x0], $0xffff  }
0x160: {  	v45 =	vld.idx.msk [tilespmem:v38+s16+$0x0], $0xffff;
	v1 =	vadd.f32 v3, v1;
	v3 =	vmul.f32 v37, v36  }
0x161: {  	v47 =	vor.u32 $0xB, v2;
	v46 =	vld.idx.msk [tilespmem:v38+s17+$0x0], $0xffff  }
0x162: {  	v48 =	vld.idx.msk [tilespmem:v41+s16+$0x0], $0xffff;
	v1 =	vadd.f32 v3, v1;
	v3 =	vmul.f32 v40, v39  }
0x163: {  	v50 =	vor.u32 $0xC, v2;
	v49 =	vld.idx.msk [tilespmem:v41+s17+$0x0], $0xffff  }
0x164: {  	v51 =	vld.idx.msk [tilespmem:v44+s16+$0x0], $0xffff;
	v1 =	vadd.f32 v3, v1;
	v3 =	vmul.f32 v43, v42  }
0x165: {  	v53 =	vor.u32 $0xD, v2;
	v52 =	vld.idx.msk [tilespmem:v44+s17+$0x0], $0xffff  }
0x166: {  	v54 =	vld.idx.msk [tilespmem:v47+s16+$0x0], $0xffff;
	v1 =	vadd.f32 v3, v1;
	v3 =	vmul.f32 v46, v45  }
0x167: {  	v56 =	vor.u32 $0xE, v2;
	v55 =	vld.idx.msk [tilespmem:v47+s17+$0x0], $0xffff  }
0x168: {  	v57 =	vld.idx.msk [tilespmem:v50+s16+$0x0], $0xffff;
	v1 =	vadd.f32 v3, v1;
	v3 =	vmul.f32 v49, v48  }
0x169: {  	v59 =	vor.u32 $0xF, v2;
	v58 =	vld.idx.msk [tilespmem:v50+s17+$0x0], $0xffff  }
0x16a: {  	v60 =	vld.idx.msk [tilespmem:v53+s16+$0x0], $0xffff;
	v1 =	vadd.f32 v3, v1;
	v3 =	vmul.f32 v52, v51  }
0x16b: {  	v62 =	vor.u32 $0x10, v2;
	v61 =	vld.idx.msk [tilespmem:v53+s17+$0x0], $0xffff  }
0x16c: {  	v63 =	vld.idx.msk [tilespmem:v56+s16+$0x0], $0xffff;
	v1 =	vadd.f32 v3, v1;
	v3 =	vmul.f32 v55, v54  }
0x16d: {  	v17 =	vor.u32 $0x11, v2;
	v16 =	vld.idx.msk [tilespmem:v56+s17+$0x0], $0xffff  }
0x16e: {  	v18 =	vld.idx.msk [tilespmem:v59+s16+$0x0], $0xffff;
	v1 =	vadd.f32 v3, v1;
	v3 =	vmul.f32 v58, v57  }
0x16f: {  	v20 =	vor.u32 $0x12, v2;
	v19 =	vld.idx.msk [tilespmem:v59+s17+$0x0], $0xffff  }
0x170: {  	v21 =	vld.idx.msk [tilespmem:v62+s16+$0x0], $0xffff;
	v1 =	vadd.f32 v3, v1;
	v3 =	vmul.f32 v61, v60  }
0x171: {  	v23 =	vor.u32 $0x13, v2;
	v22 =	vld.idx.msk [tilespmem:v62+s17+$0x0], $0xffff  }
0x172: {  	v24 =	vld.idx.msk [tilespmem:v17+s16+$0x0], $0xffff;
	v1 =	vadd.f32 v3, v1;
	v3 =	vmul.f32 v16, v63  }
0x173: {  	v26 =	vor.u32 $0x14, v2;
	v25 =	vld.idx.msk [tilespmem:v17+s17+$0x0], $0xffff  }
0x174: {  	v27 =	vld.idx.msk [tilespmem:v20+s16+$0x0], $0xffff;
	v1 =	vadd.f32 v3, v1;
	v3 =	vmul.f32 v19, v18  }
0x175: {  	v28 =	vld.idx.msk [tilespmem:v20+s17+$0x0], $0xffff;
	v29 =	vor.u32 $0x15, v2  }
0x176: {  	v30 =	vld.idx.msk [tilespmem:v23+s16+$0x0], $0xffff;
	v1 =	vadd.f32 v3, v1;
	v3 =	vmul.f32 v22, v21  }
0x177: {  	v32 =	vor.u32 $0x16, v2;
	v31 =	vld.idx.msk [tilespmem:v23+s17+$0x0], $0xffff  }
0x178: {  	v33 =	vld.idx.msk [tilespmem:v26+s16+$0x0], $0xffff;
	v1 =	vadd.f32 v3, v1;
	v3 =	vmul.f32 v25, v24  }
0x179: {  	v35 =	vor.u32 $0x17, v2;
	v34 =	vld.idx.msk [tilespmem:v26+s17+$0x0], $0xffff  }
0x17a: {  	v36 =	vld.idx.msk [tilespmem:v29+s16+$0x0], $0xffff;
	v1 =	vadd.f32 v3, v1;
	v3 =	vmul.f32 v28, v27  }
0x17b: {  	v38 =	vor.u32 $0x18, v2;
	v37 =	vld.idx.msk [tilespmem:v29+s17+$0x0], $0xffff  }
0x17c: {  	v39 =	vld.idx.msk [tilespmem:v32+s16+$0x0], $0xffff;
	v1 =	vadd.f32 v3, v1;
	v3 =	vmul.f32 v31, v30  }
0x17d: {  	v41 =	vor.u32 $0x19, v2;
	v40 =	vld.idx.msk [tilespmem:v32+s17+$0x0], $0xffff  }
0x17e: {  	v42 =	vld.idx.msk [tilespmem:v35+s16+$0x0], $0xffff;
	v1 =	vadd.f32 v3, v1;
	v3 =	vmul.f32 v34, v33  }
0x17f: {  	v44 =	vor.u32 $0x1A, v2;
	v43 =	vld.idx.msk [tilespmem:v35+s17+$0x0], $0xffff  }
0x180: {  	v45 =	vld.idx.msk [tilespmem:v38+s16+$0x0], $0xffff;
	v1 =	vadd.f32 v3, v1;
	v3 =	vmul.f32 v37, v36  }
0x181: {  	v47 =	vor.u32 $0x1B, v2;
	v46 =	vld.idx.msk [tilespmem:v38+s17+$0x0], $0xffff  }
0x182: {  	v48 =	vld.idx.msk [tilespmem:v41+s16+$0x0], $0xffff;
	v1 =	vadd.f32 v3, v1;
	v3 =	vmul.f32 v40, v39  }
0x183: {  	v50 =	vor.u32 $0x1C, v2;
	v49 =	vld.idx.msk [tilespmem:v41+s17+$0x0], $0xffff  }
0x184: {  	v51 =	vld.idx.msk [tilespmem:v44+s16+$0x0], $0xffff;
	v1 =	vadd.f32 v3, v1;
	v3 =	vmul.f32 v43, v42  }
0x185: {  	v53 =	vor.u32 $0x1D, v2;
	v52 =	vld.idx.msk [tilespmem:v44+s17+$0x0], $0xffff  }
0x186: {  	v54 =	vld.idx.msk [tilespmem:v47+s16+$0x0], $0xffff;
	v1 =	vadd.f32 v3, v1;
	v3 =	vmul.f32 v46, v45  }
0x187: {  	v56 =	vor.u32 $0x1E, v2;
	v55 =	vld.idx.msk [tilespmem:v47+s17+$0x0], $0xffff  }
0x188: {  	v57 =	vld.idx.msk [tilespmem:v50+s16+$0x0], $0xffff;
	v1 =	vadd.f32 v3, v1;
	v3 =	vmul.f32 v49, v48  }
0x189: {  	v2 =	vor.u32 $0x1F, v2;
	v58 =	vld.idx.msk [tilespmem:v50+s17+$0x0], $0xffff  }
0x18a: {  	v59 =	vld.idx.msk [tilespmem:v53+s16+$0x0], $0xffff;
	v1 =	vadd.f32 v3, v1;
	v3 =	vmul.f32 v52, v51  }
0x18b: {  	v60 =	vld.idx.msk [tilespmem:v53+s17+$0x0], $0xffff  }
0x18c: {  	v62 =	vld.idx.msk [tilespmem:v56+s17+$0x0], $0xffff;
	v1 =	vadd.f32 v3, v1;
	v3 =	vmul.f32 v55, v54  }
0x18d: {  	v61 =	vld.idx.msk [tilespmem:v56+s16+$0x0], $0xffff  }
0x18e: {  	v63 =	vld.idx.msk [tilespmem:v2+s16+$0x0], $0xffff;
	v1 =	vadd.f32 v3, v1;
	v3 =	vmul.f32 v58, v57  }
0x18f: {  	v2 =	vld.idx.msk [tilespmem:v2+s17+$0x0], $0xffff  }
0x190: {  	v1 =	vadd.f32 v3, v1;
	v3 =	vmul.f32 v60, v59;
	_ =	sdelay $0x1  }
0x191: {  	v1 =	vadd.f32 v3, v1;
	v3 =	vmul.f32 v62, v61;
	_ =	sdelay $0x1  }
0x192: {  	v2 =	vmul.f32 v2, v63;
	v1 =	vadd.f32 v3, v1;
	_ =	sdelay $0x1  }
0x193: {  	s21 =	sadd.s32 $0x1, s21;
	v1 =	vadd.f32 v2, v1  }
0x194: {  	s28 =	sadd.s32 $0x10, s26;
	p0 =	sne.s32 s21, s11  }
.Ltmp1:
0x195: {  	[tilespmem:s28+$0x0] =	vst v1;
	(pc) =	sbr.rel @p0 .LBB2_1-.Ltmp1, $4  }
0x196: {  	[hbm4b:s10+s4] =	stream.linear.scatter [tilespmem:s20], [sflag:$0x2], $0x200, $0x38;
	[tilespmem:$0x8A10] =	vst v63  }
0x197: {  	_ =	swait.ge [sflag:s12], $0x200  }
0x198: {  	[sflag:s12] =	ssyncset.done $0x0  }
0x199: {  	[sflag:s12] =	ssyncadd.s32 $0xFFFFFE00  }
0x19a: {  	_ =	sfence.sel $0x180000  }
0x19b: {  	[bflag:$0x0] =	sbarrier.arrive $0xFFFF  }
0x19c: {  	_ =	strace $0x90000047  }
0x19d: {  	s0 =	stileid.u32;
	[bflag:$0x2] =	sbarrier.arrive $0xFFFF  }
0x19e: {  	p0 =	sne.s32 s0, $0x0;
	s0 =	rddreg [dreg:$0x7]  }
0x19f: {  	s0 =	sadd.s32 @!p0 $0x100000, s0  }
0x1a0: {  	[sflag:s0] =	ssyncadd.tile.s32 @!p0 $0x1;
	_ =	shalt  }
.Lfunc_end2:
_tile_overlayer_lowered:
.L_overlay_start_2:
0x1a1: {  	(tag) =	ssettag $0x2  }
0x1a2: {  	s0 =	rddreg [dreg:$0x0];
	s2 =	stileid.u32  }
0x1a3: {  	s1 =	rddreg [dreg:$0x1];
	p0 =	sne.s32 s2, $0x0  }
0x1a4: {  	s3 =	rddreg [dreg:$0x2];
	[bflag:$0x3] =	sbarrier.arrive $0xFFFF;
	s2 =	simm.s32 @!p0 $0x1C02  }
0x1a5: {  	[timem:s3], [sflag:s2] =	dma.local @!p0 [hbm:s0], s1  }
0x1a6: {  	s0 =	simm.s32 @!p0 $0x2  }
0x1a7: {  	_ =	swait.ge @!p0 [sflag:s0], s1  }
0x1a8: {  	s1 =	ssub.s32 @!p0 $0x0, s1;
	[sflag:s0] =	ssyncset.done @!p0 $0x0  }
0x1a9: {  	[sflag:s0] =	ssyncadd.s32 @!p0 s1  }
0x1aa: {  	[bflag:$0x3] =	sbarrier.arrive $0xFFFF  }
0x1ab: {  	_ =	shalt  }

</sc_bundles>
